<compile_context>
chip_gen: v7x
topology: tpu7x:2x2x1
jax: 0.10.2.dev20260603
libtpu: 0.0.44.dev20260713+nightly
codegen_flags: <defaults>
</compile_context>

<pallas_src>
import functools

import jax
import jax.numpy as jnp
from jax import lax
from jax.experimental import pallas as pl
from jax.experimental.pallas import tpu as pltpu
from jax.experimental.pallas import tpu_sc as plsc

_B = 16384
_D = 64
_NW = 32
_CHUNK = _B // _NW
_NIDX = _CHUNK // 128
_NGROUP = _CHUNK // 16


def _body(user_h, item_h, diff_h, theta_h, a_h, b_h, w_h, ob_h, out_h,
          uidx, iidx, th, ar, br, dv, ov, colbuf, wv, obv, sem):
    cid = lax.axis_index("c")
    sid = lax.axis_index("s")
    wid = sid * 2 + cid
    base = wid * _CHUNK

    pltpu.sync_copy(user_h.at[pl.ds(wid * _NIDX, _NIDX)], uidx)
    pltpu.sync_copy(item_h.at[pl.ds(wid * _NIDX, _NIDX)], iidx)
    pltpu.sync_copy(diff_h.at[pl.ds(base, _CHUNK)], dv)
    pltpu.sync_copy(w_h, wv)
    pltpu.sync_copy(ob_h, obv)

    cps = []
    for j in range(_NIDX):
        dst = pl.ds(j * 128, 128)
        cps.append(pltpu.async_copy(theta_h.at[uidx.at[j]], th.at[dst], sem))
        cps.append(pltpu.async_copy(a_h.at[iidx.at[j]], ar.at[dst], sem))
        cps.append(pltpu.async_copy(b_h.at[iidx.at[j]], br.at[dst], sem))
    for cp in cps:
        cp.wait()

    lanes = lax.iota(jnp.int32, 16)
    tbase = lanes * 16
    zeros16 = lanes * 0
    w = wv[...]
    ob = obv[...]

    def group(g, _):
        for j in range(16):
            row = g * 16 + j
            acc = None
            for c in range(4):
                t = th[row, pl.ds(c * 16, 16)]
                av = ar[row, pl.ds(c * 16, 16)]
                sa = 1.0 / (1.0 + jnp.exp(-av))
                p = sa * t
                acc = p if acc is None else acc + p
            colbuf[pl.ds(j * 16, 16)] = acc
        dot = plsc.load_gather(colbuf, [tbase])
        for l in range(1, 16):
            dot = dot + plsc.load_gather(colbuf, [tbase + l])
        bv = plsc.load_gather(br, [g * 16 + lanes, zeros16])
        dfv = dv[pl.ds(g * 16, 16)]
        s = 1.0 / (1.0 + jnp.exp(bv - dot))
        z = s * dfv * w + ob
        ov[pl.ds(g * 16, 16)] = 1.0 / (1.0 + jnp.exp(-z))
        return 0

    lax.fori_loop(0, _NGROUP, group, 0)

    pltpu.sync_copy(ov, out_h.at[pl.ds(base, _CHUNK)])


@jax.jit
def _mirtnet_sc(user2, item2, diff, theta_w, a_w, b_w, out_W, out_b):
    mesh = plsc.VectorSubcoreMesh(core_axis_name="c", subcore_axis_name="s")
    return pl.kernel(
        _body,
        out_type=jax.ShapeDtypeStruct((_B,), jnp.float32),
        mesh=mesh,
        compiler_params=pltpu.CompilerParams(
            needs_layout_passes=False, use_tc_tiling_on_sc=False),
        scratch_types=[
            pltpu.VMEM((_NIDX, 128), jnp.int32),
            pltpu.VMEM((_NIDX, 128), jnp.int32),
            pltpu.VMEM((_CHUNK, _D), jnp.float32),
            pltpu.VMEM((_CHUNK, _D), jnp.float32),
            pltpu.VMEM((_CHUNK, 1), jnp.float32),
            pltpu.VMEM((_CHUNK,), jnp.float32),
            pltpu.VMEM((_CHUNK,), jnp.float32),
            pltpu.VMEM((256,), jnp.float32),
            pltpu.VMEM((16,), jnp.float32),
            pltpu.VMEM((16,), jnp.float32),
            pltpu.SemaphoreType.DMA,
        ],
    )(user2, item2, diff, theta_w, a_w, b_w, out_W, out_b)


def kernel(user, item, diff, theta_w, a_w, b_w, out_W, out_b):
    user2 = user.astype(jnp.int32).reshape(_NW * _NIDX, 128)
    item2 = item.astype(jnp.int32).reshape(_NW * _NIDX, 128)
    w16 = jnp.broadcast_to(out_W[0, 0], (16,))
    ob16 = jnp.broadcast_to(out_b[0], (16,))
    return _mirtnet_sc(user2, item2, diff, theta_w, a_w, b_w, w16, ob16)

# --- scband reference (transcript-rebuilt; emitter-appended) ---
"""Pipeline reference for scband-mirtnet-2585570312711 (READ-ONLY COPY).

The authoritative reference and input builder live on the scoring server;
editing this copy changes nothing except your own understanding.
"""

import jax, jax.numpy as jnp
import numpy as np

USER_NUM = 100000
ITEM_NUM = 100000
LATENT_DIM = 64
A_RANGE = 1.0
BATCH = 16384


def _xavier(key, shape):
    fan_in, fan_out = shape[0], shape[1]
    limit = float(np.sqrt(6.0 / (fan_in + fan_out)))
    return jax.random.uniform(key, shape, dtype=jnp.float32, minval=-limit, maxval=limit)


def setup_inputs(seed: int = 0) -> dict:
    key = jax.random.key(seed)
    ks = jax.random.split(key, 8)
    user = jax.random.randint(ks[0], (BATCH,), 0, USER_NUM, dtype=jnp.int64 if jax.config.jax_enable_x64 else jnp.int32)
    item = jax.random.randint(ks[1], (BATCH,), 0, ITEM_NUM, dtype=jnp.int64 if jax.config.jax_enable_x64 else jnp.int32)
    diff = jax.random.normal(ks[2], (BATCH,), dtype=jnp.float32)
    theta_w = _xavier(ks[3], (USER_NUM, LATENT_DIM))
    a_w = _xavier(ks[4], (ITEM_NUM, LATENT_DIM))
    b_w = _xavier(ks[5], (ITEM_NUM, 1))
    # nn.Linear(1, 1): weight [1,1], bias [1], default uniform(-1,1) since fan_in=1
    out_W = jax.random.uniform(ks[6], (1, 1), dtype=jnp.float32, minval=-1.0, maxval=1.0)
    out_b = jax.random.uniform(ks[7], (1,), dtype=jnp.float32, minval=-1.0, maxval=1.0)
    return {"user": user, "item": item, "diff": diff, "theta_w": theta_w, "a_w": a_w, "b_w": b_w, "out_W": out_W, "out_b": out_b}


def reference(user, item, diff, theta_w, a_w, b_w, out_W, out_b):
    theta = jnp.take(theta_w, user, axis=0)              # [B, D]
    a_raw = jnp.take(a_w, item, axis=0)                  # [B, D]
    a = A_RANGE * jax.nn.sigmoid(a_raw)                  # a_range is not None branch
    b = jnp.squeeze(jnp.take(b_w, item, axis=0), axis=-1)  # [B]
    # irt2pl: 1 / (1 + exp(-sum(a*theta, -1) + b))
    scores = 1.0 / (1.0 + jnp.exp(-jnp.sum(a * theta, axis=-1) + b))  # [B]
    scores_with_diff = scores[:, None] * diff[:, None]   # [B, 1]
    out = scores_with_diff @ out_W.T + out_b             # [B, 1]
    out = jnp.squeeze(jax.nn.sigmoid(out), axis=-1)      # [B]
    return out

if __name__ == "__main__":
    import jax
    _d = setup_inputs()
    print(jax.jit(kernel)(*tuple(_d.values())))

</pallas_src>

<mosaic_0001>
#map = affine_map<(d0, d1) -> (0, 0)>
#map1 = affine_map<(d0, d1) -> (0)>
module attributes {stable_mosaic.version = 14 : i64} {
  func.func @_body(%arg0: i32, %arg1: i32, %arg2: memref<128x128xi32, #tpu.memory_space<hbm>>, %arg3: memref<128x128xi32, #tpu.memory_space<hbm>>, %arg4: memref<16384xf32, #tpu.memory_space<hbm>>, %arg5: memref<100000x64xf32, #tpu.memory_space<hbm>>, %arg6: memref<100000x64xf32, #tpu.memory_space<hbm>>, %arg7: memref<100000x1xf32, #tpu.memory_space<hbm>>, %arg8: memref<16xf32, #tpu.memory_space<hbm>>, %arg9: memref<16xf32, #tpu.memory_space<hbm>>, %arg10: memref<16384xf32, #tpu.memory_space<hbm>>, %arg11: memref<4x128xi32, #tpu.memory_space<vmem>>, %arg12: memref<4x128xi32, #tpu.memory_space<vmem>>, %arg13: memref<512x64xf32, #tpu.memory_space<vmem>>, %arg14: memref<512x64xf32, #tpu.memory_space<vmem>>, %arg15: memref<512x1xf32, #tpu.memory_space<vmem>>, %arg16: memref<512xf32, #tpu.memory_space<vmem>>, %arg17: memref<512xf32, #tpu.memory_space<vmem>>, %arg18: memref<256xf32, #tpu.memory_space<vmem>>, %arg19: memref<16xf32, #tpu.memory_space<vmem>>, %arg20: memref<16xf32, #tpu.memory_space<vmem>>, %arg21: memref<!tpu.dma_semaphore, #tpu.memory_space<semaphore_mem>>) attributes {dimension_semantics = [#tpu.dimension_semantics<core_parallel>, #tpu.dimension_semantics<subcore_parallel>], iteration_bounds = array<i64: 2, 16>, scalar_prefetch = 0 : i64, scratch_operands = 11 : i64, tpu.core_type = #tpu.core_type<sc_vector_subcore>, window_params = [{transform_indices = #map}, {transform_indices = #map}, {transform_indices = #map1}, {transform_indices = #map}, {transform_indices = #map}, {transform_indices = #map}, {transform_indices = #map1}, {transform_indices = #map1}, {transform_indices = #map1}]} {
    %mul3A = arith.constant 2 : i32
    %mul3A_0 = arith.muli %arg1, %mul3A : i32
    %add3A = arith.addi %mul3A_0, %arg0 : i32
    %mul3A_1 = arith.constant 512 : i32
    %mul3A_2 = arith.muli %add3A, %mul3A_1 : i32
    %mul3A_3 = arith.constant 4 : i32
    %mul3A_4 = arith.muli %add3A, %mul3A_3 : i32
    "tpu.region"() ({
      %run_scoped3A = tpu.sem_alloc : memref<!tpu.dma_semaphore, #tpu.memory_space<semaphore_mem>>
      %dma_start3A_260 = arith.constant 0 : i32
      %dma_start3A_261 = tpu.memref_slice %arg2[%mul3A_4, %dma_start3A_260] : memref<128x128xi32, #tpu.memory_space<hbm>> -> memref<4x128xi32, #tpu.memory_space<hbm>>
      %dma_start3A_262 = arith.constant 0 : i32
      %dma_start3A_263 = tpu.memref_slice %arg2[%mul3A_4, %dma_start3A_262] : memref<128x128xi32, #tpu.memory_space<hbm>> -> memref<4x128xi32, #tpu.memory_space<hbm>>
      tpu.enqueue_dma source(%dma_start3A_263 : memref<4x128xi32, #tpu.memory_space<hbm>>) target(%arg11 : memref<4x128xi32, #tpu.memory_space<vmem>>) target_semaphore(%run_scoped3A : memref<!tpu.dma_semaphore, #tpu.memory_space<semaphore_mem>>)
      %dma_wait3A_264 = arith.constant 0 : i32
      %dma_wait3A_265 = tpu.memref_slice %arg2[%mul3A_4, %dma_wait3A_264] : memref<128x128xi32, #tpu.memory_space<hbm>> -> memref<4x128xi32, #tpu.memory_space<hbm>>
      %dma_wait3A_266 = arith.constant 0 : i32
      %dma_wait3A_267 = tpu.memref_slice %arg2[%mul3A_4, %dma_wait3A_266] : memref<128x128xi32, #tpu.memory_space<hbm>> -> memref<4x128xi32, #tpu.memory_space<hbm>>
      tpu.wait_dma2 semaphore(%run_scoped3A : memref<!tpu.dma_semaphore, #tpu.memory_space<semaphore_mem>>) src(%dma_wait3A_267 : memref<4x128xi32, #tpu.memory_space<hbm>>) dst(%arg11 : memref<4x128xi32, #tpu.memory_space<vmem>>)
      tpu.yield
    }) : () -> ()
    %mul3A_5 = arith.constant 4 : i32
    %mul3A_6 = arith.muli %add3A, %mul3A_5 : i32
    "tpu.region"() ({
      %run_scoped3A = tpu.sem_alloc : memref<!tpu.dma_semaphore, #tpu.memory_space<semaphore_mem>>
      %dma_start3A_260 = arith.constant 0 : i32
      %dma_start3A_261 = tpu.memref_slice %arg3[%mul3A_6, %dma_start3A_260] : memref<128x128xi32, #tpu.memory_space<hbm>> -> memref<4x128xi32, #tpu.memory_space<hbm>>
      %dma_start3A_262 = arith.constant 0 : i32
      %dma_start3A_263 = tpu.memref_slice %arg3[%mul3A_6, %dma_start3A_262] : memref<128x128xi32, #tpu.memory_space<hbm>> -> memref<4x128xi32, #tpu.memory_space<hbm>>
      tpu.enqueue_dma source(%dma_start3A_263 : memref<4x128xi32, #tpu.memory_space<hbm>>) target(%arg12 : memref<4x128xi32, #tpu.memory_space<vmem>>) target_semaphore(%run_scoped3A : memref<!tpu.dma_semaphore, #tpu.memory_space<semaphore_mem>>)
      %dma_wait3A_264 = arith.constant 0 : i32
      %dma_wait3A_265 = tpu.memref_slice %arg3[%mul3A_6, %dma_wait3A_264] : memref<128x128xi32, #tpu.memory_space<hbm>> -> memref<4x128xi32, #tpu.memory_space<hbm>>
      %dma_wait3A_266 = arith.constant 0 : i32
      %dma_wait3A_267 = tpu.memref_slice %arg3[%mul3A_6, %dma_wait3A_266] : memref<128x128xi32, #tpu.memory_space<hbm>> -> memref<4x128xi32, #tpu.memory_space<hbm>>
      tpu.wait_dma2 semaphore(%run_scoped3A : memref<!tpu.dma_semaphore, #tpu.memory_space<semaphore_mem>>) src(%dma_wait3A_267 : memref<4x128xi32, #tpu.memory_space<hbm>>) dst(%arg12 : memref<4x128xi32, #tpu.memory_space<vmem>>)
      tpu.yield
    }) : () -> ()
    "tpu.region"() ({
      %run_scoped3A = tpu.sem_alloc : memref<!tpu.dma_semaphore, #tpu.memory_space<semaphore_mem>>
      %dma_start3A_260 = tpu.memref_slice %arg4[%mul3A_2] : memref<16384xf32, #tpu.memory_space<hbm>> -> memref<512xf32, #tpu.memory_space<hbm>>
      %dma_start3A_261 = tpu.memref_slice %arg4[%mul3A_2] : memref<16384xf32, #tpu.memory_space<hbm>> -> memref<512xf32, #tpu.memory_space<hbm>>
      tpu.enqueue_dma source(%dma_start3A_261 : memref<512xf32, #tpu.memory_space<hbm>>) target(%arg16 : memref<512xf32, #tpu.memory_space<vmem>>) target_semaphore(%run_scoped3A : memref<!tpu.dma_semaphore, #tpu.memory_space<semaphore_mem>>)
      %dma_wait3A_262 = tpu.memref_slice %arg4[%mul3A_2] : memref<16384xf32, #tpu.memory_space<hbm>> -> memref<512xf32, #tpu.memory_space<hbm>>
      %dma_wait3A_263 = tpu.memref_slice %arg4[%mul3A_2] : memref<16384xf32, #tpu.memory_space<hbm>> -> memref<512xf32, #tpu.memory_space<hbm>>
      tpu.wait_dma2 semaphore(%run_scoped3A : memref<!tpu.dma_semaphore, #tpu.memory_space<semaphore_mem>>) src(%dma_wait3A_263 : memref<512xf32, #tpu.memory_space<hbm>>) dst(%arg16 : memref<512xf32, #tpu.memory_space<vmem>>)
      tpu.yield
    }) : () -> ()
    "tpu.region"() ({
      %run_scoped3A = tpu.sem_alloc : memref<!tpu.dma_semaphore, #tpu.memory_space<semaphore_mem>>
      tpu.enqueue_dma source(%arg8 : memref<16xf32, #tpu.memory_space<hbm>>) target(%arg19 : memref<16xf32, #tpu.memory_space<vmem>>) target_semaphore(%run_scoped3A : memref<!tpu.dma_semaphore, #tpu.memory_space<semaphore_mem>>)
      tpu.wait_dma2 semaphore(%run_scoped3A : memref<!tpu.dma_semaphore, #tpu.memory_space<semaphore_mem>>) src(%arg8 : memref<16xf32, #tpu.memory_space<hbm>>) dst(%arg19 : memref<16xf32, #tpu.memory_space<vmem>>)
      tpu.yield
    }) : () -> ()
    "tpu.region"() ({
      %run_scoped3A = tpu.sem_alloc : memref<!tpu.dma_semaphore, #tpu.memory_space<semaphore_mem>>
      tpu.enqueue_dma source(%arg9 : memref<16xf32, #tpu.memory_space<hbm>>) target(%arg20 : memref<16xf32, #tpu.memory_space<vmem>>) target_semaphore(%run_scoped3A : memref<!tpu.dma_semaphore, #tpu.memory_space<semaphore_mem>>)
      tpu.wait_dma2 semaphore(%run_scoped3A : memref<!tpu.dma_semaphore, #tpu.memory_space<semaphore_mem>>) src(%arg9 : memref<16xf32, #tpu.memory_space<hbm>>) dst(%arg20 : memref<16xf32, #tpu.memory_space<vmem>>)
      tpu.yield
    }) : () -> ()
    %dma_start3A = arith.constant 0 : i32
    %dma_start3A_7 = arith.constant 0 : i32
    %dma_start3A_8 = arith.constant 0 : i32
    %dma_start3A_9 = tpu.memref_slice %arg13[%dma_start3A_7, %dma_start3A_8] : memref<512x64xf32, #tpu.memory_space<vmem>> -> memref<128x64xf32, #tpu.memory_space<vmem>>
    %dma_start3A_10 = arith.constant 0 : i32
    %dma_start3A_11 = tpu.memref_slice %arg11[%dma_start3A, %dma_start3A_10] : memref<4x128xi32, #tpu.memory_space<vmem>> -> memref<1x128xi32, #tpu.memory_space<vmem>>
    %dma_start3A_12 = tpu.memref_squeeze %dma_start3A_11 : memref<1x128xi32, #tpu.memory_space<vmem>> -> memref<128xi32, #tpu.memory_space<vmem>>
    %dma_start3A_13 = arith.constant 0 : i32
    %dma_start3A_14 = arith.constant 0 : i32
    %dma_start3A_15 = tpu.memref_slice %arg5[%dma_start3A_13, %dma_start3A_14] : memref<100000x64xf32, #tpu.memory_space<hbm>> -> memref<100000x64xf32, #tpu.memory_space<hbm>>
    tpu.enqueue_indirect_dma source(%dma_start3A_15 : memref<100000x64xf32, #tpu.memory_space<hbm>>) target(%dma_start3A_9 : memref<128x64xf32, #tpu.memory_space<vmem>>) offsets(%dma_start3A_12 : memref<128xi32, #tpu.memory_space<vmem>>) semaphore(%arg21 : memref<!tpu.dma_semaphore, #tpu.memory_space<semaphore_mem>>)
    %dma_start3A_16 = arith.constant 0 : i32
    %dma_start3A_17 = arith.constant 0 : i32
    %dma_start3A_18 = arith.constant 0 : i32
    %dma_start3A_19 = tpu.memref_slice %arg14[%dma_start3A_17, %dma_start3A_18] : memref<512x64xf32, #tpu.memory_space<vmem>> -> memref<128x64xf32, #tpu.memory_space<vmem>>
    %dma_start3A_20 = arith.constant 0 : i32
    %dma_start3A_21 = tpu.memref_slice %arg12[%dma_start3A_16, %dma_start3A_20] : memref<4x128xi32, #tpu.memory_space<vmem>> -> memref<1x128xi32, #tpu.memory_space<vmem>>
    %dma_start3A_22 = tpu.memref_squeeze %dma_start3A_21 : memref<1x128xi32, #tpu.memory_space<vmem>> -> memref<128xi32, #tpu.memory_space<vmem>>
    %dma_start3A_23 = arith.constant 0 : i32
    %dma_start3A_24 = arith.constant 0 : i32
    %dma_start3A_25 = tpu.memref_slice %arg6[%dma_start3A_23, %dma_start3A_24] : memref<100000x64xf32, #tpu.memory_space<hbm>> -> memref<100000x64xf32, #tpu.memory_space<hbm>>
    tpu.enqueue_indirect_dma source(%dma_start3A_25 : memref<100000x64xf32, #tpu.memory_space<hbm>>) target(%dma_start3A_19 : memref<128x64xf32, #tpu.memory_space<vmem>>) offsets(%dma_start3A_22 : memref<128xi32, #tpu.memory_space<vmem>>) semaphore(%arg21 : memref<!tpu.dma_semaphore, #tpu.memory_space<semaphore_mem>>)
    %dma_start3A_26 = arith.constant 0 : i32
    %dma_start3A_27 = arith.constant 0 : i32
    %dma_start3A_28 = arith.constant 0 : i32
    %dma_start3A_29 = tpu.memref_slice %arg15[%dma_start3A_27, %dma_start3A_28] : memref<512x1xf32, #tpu.memory_space<vmem>> -> memref<128x1xf32, #tpu.memory_space<vmem>>
    %dma_start3A_30 = arith.constant 0 : i32
    %dma_start3A_31 = tpu.memref_slice %arg12[%dma_start3A_26, %dma_start3A_30] : memref<4x128xi32, #tpu.memory_space<vmem>> -> memref<1x128xi32, #tpu.memory_space<vmem>>
    %dma_start3A_32 = tpu.memref_squeeze %dma_start3A_31 : memref<1x128xi32, #tpu.memory_space<vmem>> -> memref<128xi32, #tpu.memory_space<vmem>>
    %dma_start3A_33 = arith.constant 0 : i32
    %dma_start3A_34 = arith.constant 0 : i32
    %dma_start3A_35 = tpu.memref_slice %arg7[%dma_start3A_33, %dma_start3A_34] : memref<100000x1xf32, #tpu.memory_space<hbm>> -> memref<100000x1xf32, #tpu.memory_space<hbm>>
    tpu.enqueue_indirect_dma source(%dma_start3A_35 : memref<100000x1xf32, #tpu.memory_space<hbm>>) target(%dma_start3A_29 : memref<128x1xf32, #tpu.memory_space<vmem>>) offsets(%dma_start3A_32 : memref<128xi32, #tpu.memory_space<vmem>>) semaphore(%arg21 : memref<!tpu.dma_semaphore, #tpu.memory_space<semaphore_mem>>)
    %dma_start3A_36 = arith.constant 1 : i32
    %dma_start3A_37 = arith.constant 128 : i32
    %dma_start3A_38 = arith.constant 0 : i32
    %dma_start3A_39 = tpu.memref_slice %arg13[%dma_start3A_37, %dma_start3A_38] : memref<512x64xf32, #tpu.memory_space<vmem>> -> memref<128x64xf32, #tpu.memory_space<vmem>>
    %dma_start3A_40 = arith.constant 0 : i32
    %dma_start3A_41 = tpu.memref_slice %arg11[%dma_start3A_36, %dma_start3A_40] : memref<4x128xi32, #tpu.memory_space<vmem>> -> memref<1x128xi32, #tpu.memory_space<vmem>>
    %dma_start3A_42 = tpu.memref_squeeze %dma_start3A_41 : memref<1x128xi32, #tpu.memory_space<vmem>> -> memref<128xi32, #tpu.memory_space<vmem>>
    %dma_start3A_43 = arith.constant 0 : i32
    %dma_start3A_44 = arith.constant 0 : i32
    %dma_start3A_45 = tpu.memref_slice %arg5[%dma_start3A_43, %dma_start3A_44] : memref<100000x64xf32, #tpu.memory_space<hbm>> -> memref<100000x64xf32, #tpu.memory_space<hbm>>
    tpu.enqueue_indirect_dma source(%dma_start3A_45 : memref<100000x64xf32, #tpu.memory_space<hbm>>) target(%dma_start3A_39 : memref<128x64xf32, #tpu.memory_space<vmem>>) offsets(%dma_start3A_42 : memref<128xi32, #tpu.memory_space<vmem>>) semaphore(%arg21 : memref<!tpu.dma_semaphore, #tpu.memory_space<semaphore_mem>>)
    %dma_start3A_46 = arith.constant 1 : i32
    %dma_start3A_47 = arith.constant 128 : i32
    %dma_start3A_48 = arith.constant 0 : i32
    %dma_start3A_49 = tpu.memref_slice %arg14[%dma_start3A_47, %dma_start3A_48] : memref<512x64xf32, #tpu.memory_space<vmem>> -> memref<128x64xf32, #tpu.memory_space<vmem>>
    %dma_start3A_50 = arith.constant 0 : i32
    %dma_start3A_51 = tpu.memref_slice %arg12[%dma_start3A_46, %dma_start3A_50] : memref<4x128xi32, #tpu.memory_space<vmem>> -> memref<1x128xi32, #tpu.memory_space<vmem>>
    %dma_start3A_52 = tpu.memref_squeeze %dma_start3A_51 : memref<1x128xi32, #tpu.memory_space<vmem>> -> memref<128xi32, #tpu.memory_space<vmem>>
    %dma_start3A_53 = arith.constant 0 : i32
    %dma_start3A_54 = arith.constant 0 : i32
    %dma_start3A_55 = tpu.memref_slice %arg6[%dma_start3A_53, %dma_start3A_54] : memref<100000x64xf32, #tpu.memory_space<hbm>> -> memref<100000x64xf32, #tpu.memory_space<hbm>>
    tpu.enqueue_indirect_dma source(%dma_start3A_55 : memref<100000x64xf32, #tpu.memory_space<hbm>>) target(%dma_start3A_49 : memref<128x64xf32, #tpu.memory_space<vmem>>) offsets(%dma_start3A_52 : memref<128xi32, #tpu.memory_space<vmem>>) semaphore(%arg21 : memref<!tpu.dma_semaphore, #tpu.memory_space<semaphore_mem>>)
    %dma_start3A_56 = arith.constant 1 : i32
    %dma_start3A_57 = arith.constant 128 : i32
    %dma_start3A_58 = arith.constant 0 : i32
    %dma_start3A_59 = tpu.memref_slice %arg15[%dma_start3A_57, %dma_start3A_58] : memref<512x1xf32, #tpu.memory_space<vmem>> -> memref<128x1xf32, #tpu.memory_space<vmem>>
    %dma_start3A_60 = arith.constant 0 : i32
    %dma_start3A_61 = tpu.memref_slice %arg12[%dma_start3A_56, %dma_start3A_60] : memref<4x128xi32, #tpu.memory_space<vmem>> -> memref<1x128xi32, #tpu.memory_space<vmem>>
    %dma_start3A_62 = tpu.memref_squeeze %dma_start3A_61 : memref<1x128xi32, #tpu.memory_space<vmem>> -> memref<128xi32, #tpu.memory_space<vmem>>
    %dma_start3A_63 = arith.constant 0 : i32
    %dma_start3A_64 = arith.constant 0 : i32
    %dma_start3A_65 = tpu.memref_slice %arg7[%dma_start3A_63, %dma_start3A_64] : memref<100000x1xf32, #tpu.memory_space<hbm>> -> memref<100000x1xf32, #tpu.memory_space<hbm>>
    tpu.enqueue_indirect_dma source(%dma_start3A_65 : memref<100000x1xf32, #tpu.memory_space<hbm>>) target(%dma_start3A_59 : memref<128x1xf32, #tpu.memory_space<vmem>>) offsets(%dma_start3A_62 : memref<128xi32, #tpu.memory_space<vmem>>) semaphore(%arg21 : memref<!tpu.dma_semaphore, #tpu.memory_space<semaphore_mem>>)
    %dma_start3A_66 = arith.constant 2 : i32
    %dma_start3A_67 = arith.constant 256 : i32
    %dma_start3A_68 = arith.constant 0 : i32
    %dma_start3A_69 = tpu.memref_slice %arg13[%dma_start3A_67, %dma_start3A_68] : memref<512x64xf32, #tpu.memory_space<vmem>> -> memref<128x64xf32, #tpu.memory_space<vmem>>
    %dma_start3A_70 = arith.constant 0 : i32
    %dma_start3A_71 = tpu.memref_slice %arg11[%dma_start3A_66, %dma_start3A_70] : memref<4x128xi32, #tpu.memory_space<vmem>> -> memref<1x128xi32, #tpu.memory_space<vmem>>
    %dma_start3A_72 = tpu.memref_squeeze %dma_start3A_71 : memref<1x128xi32, #tpu.memory_space<vmem>> -> memref<128xi32, #tpu.memory_space<vmem>>
    %dma_start3A_73 = arith.constant 0 : i32
    %dma_start3A_74 = arith.constant 0 : i32
    %dma_start3A_75 = tpu.memref_slice %arg5[%dma_start3A_73, %dma_start3A_74] : memref<100000x64xf32, #tpu.memory_space<hbm>> -> memref<100000x64xf32, #tpu.memory_space<hbm>>
    tpu.enqueue_indirect_dma source(%dma_start3A_75 : memref<100000x64xf32, #tpu.memory_space<hbm>>) target(%dma_start3A_69 : memref<128x64xf32, #tpu.memory_space<vmem>>) offsets(%dma_start3A_72 : memref<128xi32, #tpu.memory_space<vmem>>) semaphore(%arg21 : memref<!tpu.dma_semaphore, #tpu.memory_space<semaphore_mem>>)
    %dma_start3A_76 = arith.constant 2 : i32
    %dma_start3A_77 = arith.constant 256 : i32
    %dma_start3A_78 = arith.constant 0 : i32
    %dma_start3A_79 = tpu.memref_slice %arg14[%dma_start3A_77, %dma_start3A_78] : memref<512x64xf32, #tpu.memory_space<vmem>> -> memref<128x64xf32, #tpu.memory_space<vmem>>
    %dma_start3A_80 = arith.constant 0 : i32
    %dma_start3A_81 = tpu.memref_slice %arg12[%dma_start3A_76, %dma_start3A_80] : memref<4x128xi32, #tpu.memory_space<vmem>> -> memref<1x128xi32, #tpu.memory_space<vmem>>
    %dma_start3A_82 = tpu.memref_squeeze %dma_start3A_81 : memref<1x128xi32, #tpu.memory_space<vmem>> -> memref<128xi32, #tpu.memory_space<vmem>>
    %dma_start3A_83 = arith.constant 0 : i32
    %dma_start3A_84 = arith.constant 0 : i32
    %dma_start3A_85 = tpu.memref_slice %arg6[%dma_start3A_83, %dma_start3A_84] : memref<100000x64xf32, #tpu.memory_space<hbm>> -> memref<100000x64xf32, #tpu.memory_space<hbm>>
    tpu.enqueue_indirect_dma source(%dma_start3A_85 : memref<100000x64xf32, #tpu.memory_space<hbm>>) target(%dma_start3A_79 : memref<128x64xf32, #tpu.memory_space<vmem>>) offsets(%dma_start3A_82 : memref<128xi32, #tpu.memory_space<vmem>>) semaphore(%arg21 : memref<!tpu.dma_semaphore, #tpu.memory_space<semaphore_mem>>)
    %dma_start3A_86 = arith.constant 2 : i32
    %dma_start3A_87 = arith.constant 256 : i32
    %dma_start3A_88 = arith.constant 0 : i32
    %dma_start3A_89 = tpu.memref_slice %arg15[%dma_start3A_87, %dma_start3A_88] : memref<512x1xf32, #tpu.memory_space<vmem>> -> memref<128x1xf32, #tpu.memory_space<vmem>>
    %dma_start3A_90 = arith.constant 0 : i32
    %dma_start3A_91 = tpu.memref_slice %arg12[%dma_start3A_86, %dma_start3A_90] : memref<4x128xi32, #tpu.memory_space<vmem>> -> memref<1x128xi32, #tpu.memory_space<vmem>>
    %dma_start3A_92 = tpu.memref_squeeze %dma_start3A_91 : memref<1x128xi32, #tpu.memory_space<vmem>> -> memref<128xi32, #tpu.memory_space<vmem>>
    %dma_start3A_93 = arith.constant 0 : i32
    %dma_start3A_94 = arith.constant 0 : i32
    %dma_start3A_95 = tpu.memref_slice %arg7[%dma_start3A_93, %dma_start3A_94] : memref<100000x1xf32, #tpu.memory_space<hbm>> -> memref<100000x1xf32, #tpu.memory_space<hbm>>
    tpu.enqueue_indirect_dma source(%dma_start3A_95 : memref<100000x1xf32, #tpu.memory_space<hbm>>) target(%dma_start3A_89 : memref<128x1xf32, #tpu.memory_space<vmem>>) offsets(%dma_start3A_92 : memref<128xi32, #tpu.memory_space<vmem>>) semaphore(%arg21 : memref<!tpu.dma_semaphore, #tpu.memory_space<semaphore_mem>>)
    %dma_start3A_96 = arith.constant 3 : i32
    %dma_start3A_97 = arith.constant 384 : i32
    %dma_start3A_98 = arith.constant 0 : i32
    %dma_start3A_99 = tpu.memref_slice %arg13[%dma_start3A_97, %dma_start3A_98] : memref<512x64xf32, #tpu.memory_space<vmem>> -> memref<128x64xf32, #tpu.memory_space<vmem>>
    %dma_start3A_100 = arith.constant 0 : i32
    %dma_start3A_101 = tpu.memref_slice %arg11[%dma_start3A_96, %dma_start3A_100] : memref<4x128xi32, #tpu.memory_space<vmem>> -> memref<1x128xi32, #tpu.memory_space<vmem>>
    %dma_start3A_102 = tpu.memref_squeeze %dma_start3A_101 : memref<1x128xi32, #tpu.memory_space<vmem>> -> memref<128xi32, #tpu.memory_space<vmem>>
    %dma_start3A_103 = arith.constant 0 : i32
    %dma_start3A_104 = arith.constant 0 : i32
    %dma_start3A_105 = tpu.memref_slice %arg5[%dma_start3A_103, %dma_start3A_104] : memref<100000x64xf32, #tpu.memory_space<hbm>> -> memref<100000x64xf32, #tpu.memory_space<hbm>>
    tpu.enqueue_indirect_dma source(%dma_start3A_105 : memref<100000x64xf32, #tpu.memory_space<hbm>>) target(%dma_start3A_99 : memref<128x64xf32, #tpu.memory_space<vmem>>) offsets(%dma_start3A_102 : memref<128xi32, #tpu.memory_space<vmem>>) semaphore(%arg21 : memref<!tpu.dma_semaphore, #tpu.memory_space<semaphore_mem>>)
    %dma_start3A_106 = arith.constant 3 : i32
    %dma_start3A_107 = arith.constant 384 : i32
    %dma_start3A_108 = arith.constant 0 : i32
    %dma_start3A_109 = tpu.memref_slice %arg14[%dma_start3A_107, %dma_start3A_108] : memref<512x64xf32, #tpu.memory_space<vmem>> -> memref<128x64xf32, #tpu.memory_space<vmem>>
    %dma_start3A_110 = arith.constant 0 : i32
    %dma_start3A_111 = tpu.memref_slice %arg12[%dma_start3A_106, %dma_start3A_110] : memref<4x128xi32, #tpu.memory_space<vmem>> -> memref<1x128xi32, #tpu.memory_space<vmem>>
    %dma_start3A_112 = tpu.memref_squeeze %dma_start3A_111 : memref<1x128xi32, #tpu.memory_space<vmem>> -> memref<128xi32, #tpu.memory_space<vmem>>
    %dma_start3A_113 = arith.constant 0 : i32
    %dma_start3A_114 = arith.constant 0 : i32
    %dma_start3A_115 = tpu.memref_slice %arg6[%dma_start3A_113, %dma_start3A_114] : memref<100000x64xf32, #tpu.memory_space<hbm>> -> memref<100000x64xf32, #tpu.memory_space<hbm>>
    tpu.enqueue_indirect_dma source(%dma_start3A_115 : memref<100000x64xf32, #tpu.memory_space<hbm>>) target(%dma_start3A_109 : memref<128x64xf32, #tpu.memory_space<vmem>>) offsets(%dma_start3A_112 : memref<128xi32, #tpu.memory_space<vmem>>) semaphore(%arg21 : memref<!tpu.dma_semaphore, #tpu.memory_space<semaphore_mem>>)
    %dma_start3A_116 = arith.constant 3 : i32
    %dma_start3A_117 = arith.constant 384 : i32
    %dma_start3A_118 = arith.constant 0 : i32
    %dma_start3A_119 = tpu.memref_slice %arg15[%dma_start3A_117, %dma_start3A_118] : memref<512x1xf32, #tpu.memory_space<vmem>> -> memref<128x1xf32, #tpu.memory_space<vmem>>
    %dma_start3A_120 = arith.constant 0 : i32
    %dma_start3A_121 = tpu.memref_slice %arg12[%dma_start3A_116, %dma_start3A_120] : memref<4x128xi32, #tpu.memory_space<vmem>> -> memref<1x128xi32, #tpu.memory_space<vmem>>
    %dma_start3A_122 = tpu.memref_squeeze %dma_start3A_121 : memref<1x128xi32, #tpu.memory_space<vmem>> -> memref<128xi32, #tpu.memory_space<vmem>>
    %dma_start3A_123 = arith.constant 0 : i32
    %dma_start3A_124 = arith.constant 0 : i32
    %dma_start3A_125 = tpu.memref_slice %arg7[%dma_start3A_123, %dma_start3A_124] : memref<100000x1xf32, #tpu.memory_space<hbm>> -> memref<100000x1xf32, #tpu.memory_space<hbm>>
    tpu.enqueue_indirect_dma source(%dma_start3A_125 : memref<100000x1xf32, #tpu.memory_space<hbm>>) target(%dma_start3A_119 : memref<128x1xf32, #tpu.memory_space<vmem>>) offsets(%dma_start3A_122 : memref<128xi32, #tpu.memory_space<vmem>>) semaphore(%arg21 : memref<!tpu.dma_semaphore, #tpu.memory_space<semaphore_mem>>)
    %dma_wait3A = arith.constant 0 : i32
    %dma_wait3A_126 = arith.constant 0 : i32
    %dma_wait3A_127 = arith.constant 0 : i32
    %dma_wait3A_128 = tpu.memref_slice %arg13[%dma_wait3A_126, %dma_wait3A_127] : memref<512x64xf32, #tpu.memory_space<vmem>> -> memref<128x64xf32, #tpu.memory_space<vmem>>
    %dma_wait3A_129 = arith.constant 0 : i32
    %dma_wait3A_130 = tpu.memref_slice %arg11[%dma_wait3A, %dma_wait3A_129] : memref<4x128xi32, #tpu.memory_space<vmem>> -> memref<1x128xi32, #tpu.memory_space<vmem>>
    %dma_wait3A_131 = tpu.memref_squeeze %dma_wait3A_130 : memref<1x128xi32, #tpu.memory_space<vmem>> -> memref<128xi32, #tpu.memory_space<vmem>>
    %dma_wait3A_132 = arith.constant 0 : i32
    %dma_wait3A_133 = arith.constant 0 : i32
    %dma_wait3A_134 = tpu.memref_slice %arg5[%dma_wait3A_132, %dma_wait3A_133] : memref<100000x64xf32, #tpu.memory_space<hbm>> -> memref<100000x64xf32, #tpu.memory_space<hbm>>
    tpu.wait_indirect_dma semaphore(%arg21 : memref<!tpu.dma_semaphore, #tpu.memory_space<semaphore_mem>>) src(%dma_wait3A_134 : memref<100000x64xf32, #tpu.memory_space<hbm>>) dst(%dma_wait3A_128 : memref<128x64xf32, #tpu.memory_space<vmem>>)
    %dma_wait3A_135 = arith.constant 0 : i32
    %dma_wait3A_136 = arith.constant 0 : i32
    %dma_wait3A_137 = arith.constant 0 : i32
    %dma_wait3A_138 = tpu.memref_slice %arg14[%dma_wait3A_136, %dma_wait3A_137] : memref<512x64xf32, #tpu.memory_space<vmem>> -> memref<128x64xf32, #tpu.memory_space<vmem>>
    %dma_wait3A_139 = arith.constant 0 : i32
    %dma_wait3A_140 = tpu.memref_slice %arg12[%dma_wait3A_135, %dma_wait3A_139] : memref<4x128xi32, #tpu.memory_space<vmem>> -> memref<1x128xi32, #tpu.memory_space<vmem>>
    %dma_wait3A_141 = tpu.memref_squeeze %dma_wait3A_140 : memref<1x128xi32, #tpu.memory_space<vmem>> -> memref<128xi32, #tpu.memory_space<vmem>>
    %dma_wait3A_142 = arith.constant 0 : i32
    %dma_wait3A_143 = arith.constant 0 : i32
    %dma_wait3A_144 = tpu.memref_slice %arg6[%dma_wait3A_142, %dma_wait3A_143] : memref<100000x64xf32, #tpu.memory_space<hbm>> -> memref<100000x64xf32, #tpu.memory_space<hbm>>
    tpu.wait_indirect_dma semaphore(%arg21 : memref<!tpu.dma_semaphore, #tpu.memory_space<semaphore_mem>>) src(%dma_wait3A_144 : memref<100000x64xf32, #tpu.memory_space<hbm>>) dst(%dma_wait3A_138 : memref<128x64xf32, #tpu.memory_space<vmem>>)
    %dma_wait3A_145 = arith.constant 0 : i32
    %dma_wait3A_146 = arith.constant 0 : i32
    %dma_wait3A_147 = arith.constant 0 : i32
    %dma_wait3A_148 = tpu.memref_slice %arg15[%dma_wait3A_146, %dma_wait3A_147] : memref<512x1xf32, #tpu.memory_space<vmem>> -> memref<128x1xf32, #tpu.memory_space<vmem>>
    %dma_wait3A_149 = arith.constant 0 : i32
    %dma_wait3A_150 = tpu.memref_slice %arg12[%dma_wait3A_145, %dma_wait3A_149] : memref<4x128xi32, #tpu.memory_space<vmem>> -> memref<1x128xi32, #tpu.memory_space<vmem>>
    %dma_wait3A_151 = tpu.memref_squeeze %dma_wait3A_150 : memref<1x128xi32, #tpu.memory_space<vmem>> -> memref<128xi32, #tpu.memory_space<vmem>>
    %dma_wait3A_152 = arith.constant 0 : i32
    %dma_wait3A_153 = arith.constant 0 : i32
    %dma_wait3A_154 = tpu.memref_slice %arg7[%dma_wait3A_152, %dma_wait3A_153] : memref<100000x1xf32, #tpu.memory_space<hbm>> -> memref<100000x1xf32, #tpu.memory_space<hbm>>
    tpu.wait_indirect_dma semaphore(%arg21 : memref<!tpu.dma_semaphore, #tpu.memory_space<semaphore_mem>>) src(%dma_wait3A_154 : memref<100000x1xf32, #tpu.memory_space<hbm>>) dst(%dma_wait3A_148 : memref<128x1xf32, #tpu.memory_space<vmem>>)
    %dma_wait3A_155 = arith.constant 1 : i32
    %dma_wait3A_156 = arith.constant 128 : i32
    %dma_wait3A_157 = arith.constant 0 : i32
    %dma_wait3A_158 = tpu.memref_slice %arg13[%dma_wait3A_156, %dma_wait3A_157] : memref<512x64xf32, #tpu.memory_space<vmem>> -> memref<128x64xf32, #tpu.memory_space<vmem>>
    %dma_wait3A_159 = arith.constant 0 : i32
    %dma_wait3A_160 = tpu.memref_slice %arg11[%dma_wait3A_155, %dma_wait3A_159] : memref<4x128xi32, #tpu.memory_space<vmem>> -> memref<1x128xi32, #tpu.memory_space<vmem>>
    %dma_wait3A_161 = tpu.memref_squeeze %dma_wait3A_160 : memref<1x128xi32, #tpu.memory_space<vmem>> -> memref<128xi32, #tpu.memory_space<vmem>>
    %dma_wait3A_162 = arith.constant 0 : i32
    %dma_wait3A_163 = arith.constant 0 : i32
    %dma_wait3A_164 = tpu.memref_slice %arg5[%dma_wait3A_162, %dma_wait3A_163] : memref<100000x64xf32, #tpu.memory_space<hbm>> -> memref<100000x64xf32, #tpu.memory_space<hbm>>
    tpu.wait_indirect_dma semaphore(%arg21 : memref<!tpu.dma_semaphore, #tpu.memory_space<semaphore_mem>>) src(%dma_wait3A_164 : memref<100000x64xf32, #tpu.memory_space<hbm>>) dst(%dma_wait3A_158 : memref<128x64xf32, #tpu.memory_space<vmem>>)
    %dma_wait3A_165 = arith.constant 1 : i32
    %dma_wait3A_166 = arith.constant 128 : i32
    %dma_wait3A_167 = arith.constant 0 : i32
    %dma_wait3A_168 = tpu.memref_slice %arg14[%dma_wait3A_166, %dma_wait3A_167] : memref<512x64xf32, #tpu.memory_space<vmem>> -> memref<128x64xf32, #tpu.memory_space<vmem>>
    %dma_wait3A_169 = arith.constant 0 : i32
    %dma_wait3A_170 = tpu.memref_slice %arg12[%dma_wait3A_165, %dma_wait3A_169] : memref<4x128xi32, #tpu.memory_space<vmem>> -> memref<1x128xi32, #tpu.memory_space<vmem>>
    %dma_wait3A_171 = tpu.memref_squeeze %dma_wait3A_170 : memref<1x128xi32, #tpu.memory_space<vmem>> -> memref<128xi32, #tpu.memory_space<vmem>>
    %dma_wait3A_172 = arith.constant 0 : i32
    %dma_wait3A_173 = arith.constant 0 : i32
    %dma_wait3A_174 = tpu.memref_slice %arg6[%dma_wait3A_172, %dma_wait3A_173] : memref<100000x64xf32, #tpu.memory_space<hbm>> -> memref<100000x64xf32, #tpu.memory_space<hbm>>
    tpu.wait_indirect_dma semaphore(%arg21 : memref<!tpu.dma_semaphore, #tpu.memory_space<semaphore_mem>>) src(%dma_wait3A_174 : memref<100000x64xf32, #tpu.memory_space<hbm>>) dst(%dma_wait3A_168 : memref<128x64xf32, #tpu.memory_space<vmem>>)
    %dma_wait3A_175 = arith.constant 1 : i32
    %dma_wait3A_176 = arith.constant 128 : i32
    %dma_wait3A_177 = arith.constant 0 : i32
    %dma_wait3A_178 = tpu.memref_slice %arg15[%dma_wait3A_176, %dma_wait3A_177] : memref<512x1xf32, #tpu.memory_space<vmem>> -> memref<128x1xf32, #tpu.memory_space<vmem>>
    %dma_wait3A_179 = arith.constant 0 : i32
    %dma_wait3A_180 = tpu.memref_slice %arg12[%dma_wait3A_175, %dma_wait3A_179] : memref<4x128xi32, #tpu.memory_space<vmem>> -> memref<1x128xi32, #tpu.memory_space<vmem>>
    %dma_wait3A_181 = tpu.memref_squeeze %dma_wait3A_180 : memref<1x128xi32, #tpu.memory_space<vmem>> -> memref<128xi32, #tpu.memory_space<vmem>>
    %dma_wait3A_182 = arith.constant 0 : i32
    %dma_wait3A_183 = arith.constant 0 : i32
    %dma_wait3A_184 = tpu.memref_slice %arg7[%dma_wait3A_182, %dma_wait3A_183] : memref<100000x1xf32, #tpu.memory_space<hbm>> -> memref<100000x1xf32, #tpu.memory_space<hbm>>
    tpu.wait_indirect_dma semaphore(%arg21 : memref<!tpu.dma_semaphore, #tpu.memory_space<semaphore_mem>>) src(%dma_wait3A_184 : memref<100000x1xf32, #tpu.memory_space<hbm>>) dst(%dma_wait3A_178 : memref<128x1xf32, #tpu.memory_space<vmem>>)
    %dma_wait3A_185 = arith.constant 2 : i32
    %dma_wait3A_186 = arith.constant 256 : i32
    %dma_wait3A_187 = arith.constant 0 : i32
    %dma_wait3A_188 = tpu.memref_slice %arg13[%dma_wait3A_186, %dma_wait3A_187] : memref<512x64xf32, #tpu.memory_space<vmem>> -> memref<128x64xf32, #tpu.memory_space<vmem>>
    %dma_wait3A_189 = arith.constant 0 : i32
    %dma_wait3A_190 = tpu.memref_slice %arg11[%dma_wait3A_185, %dma_wait3A_189] : memref<4x128xi32, #tpu.memory_space<vmem>> -> memref<1x128xi32, #tpu.memory_space<vmem>>
    %dma_wait3A_191 = tpu.memref_squeeze %dma_wait3A_190 : memref<1x128xi32, #tpu.memory_space<vmem>> -> memref<128xi32, #tpu.memory_space<vmem>>
    %dma_wait3A_192 = arith.constant 0 : i32
    %dma_wait3A_193 = arith.constant 0 : i32
    %dma_wait3A_194 = tpu.memref_slice %arg5[%dma_wait3A_192, %dma_wait3A_193] : memref<100000x64xf32, #tpu.memory_space<hbm>> -> memref<100000x64xf32, #tpu.memory_space<hbm>>
    tpu.wait_indirect_dma semaphore(%arg21 : memref<!tpu.dma_semaphore, #tpu.memory_space<semaphore_mem>>) src(%dma_wait3A_194 : memref<100000x64xf32, #tpu.memory_space<hbm>>) dst(%dma_wait3A_188 : memref<128x64xf32, #tpu.memory_space<vmem>>)
    %dma_wait3A_195 = arith.constant 2 : i32
    %dma_wait3A_196 = arith.constant 256 : i32
    %dma_wait3A_197 = arith.constant 0 : i32
    %dma_wait3A_198 = tpu.memref_slice %arg14[%dma_wait3A_196, %dma_wait3A_197] : memref<512x64xf32, #tpu.memory_space<vmem>> -> memref<128x64xf32, #tpu.memory_space<vmem>>
    %dma_wait3A_199 = arith.constant 0 : i32
    %dma_wait3A_200 = tpu.memref_slice %arg12[%dma_wait3A_195, %dma_wait3A_199] : memref<4x128xi32, #tpu.memory_space<vmem>> -> memref<1x128xi32, #tpu.memory_space<vmem>>
    %dma_wait3A_201 = tpu.memref_squeeze %dma_wait3A_200 : memref<1x128xi32, #tpu.memory_space<vmem>> -> memref<128xi32, #tpu.memory_space<vmem>>
    %dma_wait3A_202 = arith.constant 0 : i32
    %dma_wait3A_203 = arith.constant 0 : i32
    %dma_wait3A_204 = tpu.memref_slice %arg6[%dma_wait3A_202, %dma_wait3A_203] : memref<100000x64xf32, #tpu.memory_space<hbm>> -> memref<100000x64xf32, #tpu.memory_space<hbm>>
    tpu.wait_indirect_dma semaphore(%arg21 : memref<!tpu.dma_semaphore, #tpu.memory_space<semaphore_mem>>) src(%dma_wait3A_204 : memref<100000x64xf32, #tpu.memory_space<hbm>>) dst(%dma_wait3A_198 : memref<128x64xf32, #tpu.memory_space<vmem>>)
    %dma_wait3A_205 = arith.constant 2 : i32
    %dma_wait3A_206 = arith.constant 256 : i32
    %dma_wait3A_207 = arith.constant 0 : i32
    %dma_wait3A_208 = tpu.memref_slice %arg15[%dma_wait3A_206, %dma_wait3A_207] : memref<512x1xf32, #tpu.memory_space<vmem>> -> memref<128x1xf32, #tpu.memory_space<vmem>>
    %dma_wait3A_209 = arith.constant 0 : i32
    %dma_wait3A_210 = tpu.memref_slice %arg12[%dma_wait3A_205, %dma_wait3A_209] : memref<4x128xi32, #tpu.memory_space<vmem>> -> memref<1x128xi32, #tpu.memory_space<vmem>>
    %dma_wait3A_211 = tpu.memref_squeeze %dma_wait3A_210 : memref<1x128xi32, #tpu.memory_space<vmem>> -> memref<128xi32, #tpu.memory_space<vmem>>
    %dma_wait3A_212 = arith.constant 0 : i32
    %dma_wait3A_213 = arith.constant 0 : i32
    %dma_wait3A_214 = tpu.memref_slice %arg7[%dma_wait3A_212, %dma_wait3A_213] : memref<100000x1xf32, #tpu.memory_space<hbm>> -> memref<100000x1xf32, #tpu.memory_space<hbm>>
    tpu.wait_indirect_dma semaphore(%arg21 : memref<!tpu.dma_semaphore, #tpu.memory_space<semaphore_mem>>) src(%dma_wait3A_214 : memref<100000x1xf32, #tpu.memory_space<hbm>>) dst(%dma_wait3A_208 : memref<128x1xf32, #tpu.memory_space<vmem>>)
    %dma_wait3A_215 = arith.constant 3 : i32
    %dma_wait3A_216 = arith.constant 384 : i32
    %dma_wait3A_217 = arith.constant 0 : i32
    %dma_wait3A_218 = tpu.memref_slice %arg13[%dma_wait3A_216, %dma_wait3A_217] : memref<512x64xf32, #tpu.memory_space<vmem>> -> memref<128x64xf32, #tpu.memory_space<vmem>>
    %dma_wait3A_219 = arith.constant 0 : i32
    %dma_wait3A_220 = tpu.memref_slice %arg11[%dma_wait3A_215, %dma_wait3A_219] : memref<4x128xi32, #tpu.memory_space<vmem>> -> memref<1x128xi32, #tpu.memory_space<vmem>>
    %dma_wait3A_221 = tpu.memref_squeeze %dma_wait3A_220 : memref<1x128xi32, #tpu.memory_space<vmem>> -> memref<128xi32, #tpu.memory_space<vmem>>
    %dma_wait3A_222 = arith.constant 0 : i32
    %dma_wait3A_223 = arith.constant 0 : i32
    %dma_wait3A_224 = tpu.memref_slice %arg5[%dma_wait3A_222, %dma_wait3A_223] : memref<100000x64xf32, #tpu.memory_space<hbm>> -> memref<100000x64xf32, #tpu.memory_space<hbm>>
    tpu.wait_indirect_dma semaphore(%arg21 : memref<!tpu.dma_semaphore, #tpu.memory_space<semaphore_mem>>) src(%dma_wait3A_224 : memref<100000x64xf32, #tpu.memory_space<hbm>>) dst(%dma_wait3A_218 : memref<128x64xf32, #tpu.memory_space<vmem>>)
    %dma_wait3A_225 = arith.constant 3 : i32
    %dma_wait3A_226 = arith.constant 384 : i32
    %dma_wait3A_227 = arith.constant 0 : i32
    %dma_wait3A_228 = tpu.memref_slice %arg14[%dma_wait3A_226, %dma_wait3A_227] : memref<512x64xf32, #tpu.memory_space<vmem>> -> memref<128x64xf32, #tpu.memory_space<vmem>>
    %dma_wait3A_229 = arith.constant 0 : i32
    %dma_wait3A_230 = tpu.memref_slice %arg12[%dma_wait3A_225, %dma_wait3A_229] : memref<4x128xi32, #tpu.memory_space<vmem>> -> memref<1x128xi32, #tpu.memory_space<vmem>>
    %dma_wait3A_231 = tpu.memref_squeeze %dma_wait3A_230 : memref<1x128xi32, #tpu.memory_space<vmem>> -> memref<128xi32, #tpu.memory_space<vmem>>
    %dma_wait3A_232 = arith.constant 0 : i32
    %dma_wait3A_233 = arith.constant 0 : i32
    %dma_wait3A_234 = tpu.memref_slice %arg6[%dma_wait3A_232, %dma_wait3A_233] : memref<100000x64xf32, #tpu.memory_space<hbm>> -> memref<100000x64xf32, #tpu.memory_space<hbm>>
    tpu.wait_indirect_dma semaphore(%arg21 : memref<!tpu.dma_semaphore, #tpu.memory_space<semaphore_mem>>) src(%dma_wait3A_234 : memref<100000x64xf32, #tpu.memory_space<hbm>>) dst(%dma_wait3A_228 : memref<128x64xf32, #tpu.memory_space<vmem>>)
    %dma_wait3A_235 = arith.constant 3 : i32
    %dma_wait3A_236 = arith.constant 384 : i32
    %dma_wait3A_237 = arith.constant 0 : i32
    %dma_wait3A_238 = tpu.memref_slice %arg15[%dma_wait3A_236, %dma_wait3A_237] : memref<512x1xf32, #tpu.memory_space<vmem>> -> memref<128x1xf32, #tpu.memory_space<vmem>>
    %dma_wait3A_239 = arith.constant 0 : i32
    %dma_wait3A_240 = tpu.memref_slice %arg12[%dma_wait3A_235, %dma_wait3A_239] : memref<4x128xi32, #tpu.memory_space<vmem>> -> memref<1x128xi32, #tpu.memory_space<vmem>>
    %dma_wait3A_241 = tpu.memref_squeeze %dma_wait3A_240 : memref<1x128xi32, #tpu.memory_space<vmem>> -> memref<128xi32, #tpu.memory_space<vmem>>
    %dma_wait3A_242 = arith.constant 0 : i32
    %dma_wait3A_243 = arith.constant 0 : i32
    %dma_wait3A_244 = tpu.memref_slice %arg7[%dma_wait3A_242, %dma_wait3A_243] : memref<100000x1xf32, #tpu.memory_space<hbm>> -> memref<100000x1xf32, #tpu.memory_space<hbm>>
    tpu.wait_indirect_dma semaphore(%arg21 : memref<!tpu.dma_semaphore, #tpu.memory_space<semaphore_mem>>) src(%dma_wait3A_244 : memref<100000x1xf32, #tpu.memory_space<hbm>>) dst(%dma_wait3A_238 : memref<128x1xf32, #tpu.memory_space<vmem>>)
    %iota3A = tpu.iota {dimensions = array<i32: 0>} : vector<16xi32>
    %mul3A_245 = arith.constant 16 : i32
    %mul3A_246 = vector.broadcast %mul3A_245 : i32 to vector<16xi32>
    %mul3A_247 = arith.muli %iota3A, %mul3A_246 : vector<16xi32>
    %mul3A_248 = arith.constant 0 : i32
    %mul3A_249 = vector.broadcast %mul3A_248 : i32 to vector<16xi32>
    %mul3A_250 = arith.muli %iota3A, %mul3A_249 : vector<16xi32>
    %get3A = arith.constant 0 : index
    %get3A_251 = tpu.vector_load %arg19[%get3A] {strides = array<i32>} : memref<16xf32, #tpu.memory_space<vmem>>, vector<16xf32>,
    %get3A_252 = arith.constant 0 : index
    %get3A_253 = tpu.vector_load %arg20[%get3A_252] {strides = array<i32>} : memref<16xf32, #tpu.memory_space<vmem>>, vector<16xf32>,
    %scan3A = arith.constant 0 : i32
    %scan3A_254 = arith.constant 0 : i32
    %scan3A_255 = arith.constant 32 : i32
    %scan3A_256 = arith.addi %scan3A_254, %scan3A_255 : i32
    %scan3A_257 = arith.constant 1 : i32
    %scan3A_258 = scf.for %scan3A_260 = %scan3A_254 to %scan3A_256 step %scan3A_257 iter_args(%scan3A_261 = %scan3A) -> (i32)  : i32 {
      %mul3A_262 = arith.constant 16 : i32
      %mul3A_263 = arith.muli %scan3A_260, %mul3A_262 : i32
      %add3A_264 = arith.constant 0 : i32
      %add3A_265 = arith.addi %mul3A_263, %add3A_264 : i32
      %get3A_266 = arith.index_cast %add3A_265 : i32 to index
      %get3A_267 = arith.constant 0 : index
      %get3A_268 = tpu.vector_load %arg13[%get3A_266, %get3A_267] {strides = array<i32>} : memref<512x64xf32, #tpu.memory_space<vmem>>, vector<16xf32>,
      %get3A_269 = arith.index_cast %add3A_265 : i32 to index
      %get3A_270 = arith.constant 0 : index
      %get3A_271 = tpu.vector_load %arg14[%get3A_269, %get3A_270] {strides = array<i32>} : memref<512x64xf32, #tpu.memory_space<vmem>>, vector<16xf32>,
      %neg3A = arith.constant 0.000000e+00 : f32
      %neg3A_272 = vector.broadcast %neg3A : f32 to vector<16xf32>
      %neg3A_273 = arith.subf %neg3A_272, %get3A_271 : vector<16xf32>
      %exp3A = math.exp %neg3A_273 : vector<16xf32>
      %add3A_274 = arith.constant 1.000000e+00 : f32
      %add3A_275 = vector.broadcast %add3A_274 : f32 to vector<16xf32>
      %add3A_276 = arith.addf %add3A_275, %exp3A : vector<16xf32>
      %div3A = arith.constant 1.000000e+00 : f32
      %div3A_277 = vector.broadcast %div3A : f32 to vector<16xf32>
      %div3A_278 = arith.divf %div3A_277, %add3A_276 : vector<16xf32>
      %mul3A_279 = arith.mulf %div3A_278, %get3A_268 : vector<16xf32>
      %get3A_280 = arith.index_cast %add3A_265 : i32 to index
      %get3A_281 = arith.constant 16 : index
      %get3A_282 = tpu.vector_load %arg13[%get3A_280, %get3A_281] {strides = array<i32>} : memref<512x64xf32, #tpu.memory_space<vmem>>, vector<16xf32>,
      %get3A_283 = arith.index_cast %add3A_265 : i32 to index
      %get3A_284 = arith.constant 16 : index
      %get3A_285 = tpu.vector_load %arg14[%get3A_283, %get3A_284] {strides = array<i32>} : memref<512x64xf32, #tpu.memory_space<vmem>>, vector<16xf32>,
      %neg3A_286 = arith.constant 0.000000e+00 : f32
      %neg3A_287 = vector.broadcast %neg3A_286 : f32 to vector<16xf32>
      %neg3A_288 = arith.subf %neg3A_287, %get3A_285 : vector<16xf32>
      %exp3A_289 = math.exp %neg3A_288 : vector<16xf32>
      %add3A_290 = arith.constant 1.000000e+00 : f32
      %add3A_291 = vector.broadcast %add3A_290 : f32 to vector<16xf32>
      %add3A_292 = arith.addf %add3A_291, %exp3A_289 : vector<16xf32>
      %div3A_293 = arith.constant 1.000000e+00 : f32
      %div3A_294 = vector.broadcast %div3A_293 : f32 to vector<16xf32>
      %div3A_295 = arith.divf %div3A_294, %add3A_292 : vector<16xf32>
      %mul3A_296 = arith.mulf %div3A_295, %get3A_282 : vector<16xf32>
      %add3A_297 = arith.addf %mul3A_279, %mul3A_296 : vector<16xf32>
      %get3A_298 = arith.index_cast %add3A_265 : i32 to index
      %get3A_299 = arith.constant 32 : index
      %get3A_300 = tpu.vector_load %arg13[%get3A_298, %get3A_299] {strides = array<i32>} : memref<512x64xf32, #tpu.memory_space<vmem>>, vector<16xf32>,
      %get3A_301 = arith.index_cast %add3A_265 : i32 to index
      %get3A_302 = arith.constant 32 : index
      %get3A_303 = tpu.vector_load %arg14[%get3A_301, %get3A_302] {strides = array<i32>} : memref<512x64xf32, #tpu.memory_space<vmem>>, vector<16xf32>,
      %neg3A_304 = arith.constant 0.000000e+00 : f32
      %neg3A_305 = vector.broadcast %neg3A_304 : f32 to vector<16xf32>
      %neg3A_306 = arith.subf %neg3A_305, %get3A_303 : vector<16xf32>
      %exp3A_307 = math.exp %neg3A_306 : vector<16xf32>
      %add3A_308 = arith.constant 1.000000e+00 : f32
      %add3A_309 = vector.broadcast %add3A_308 : f32 to vector<16xf32>
      %add3A_310 = arith.addf %add3A_309, %exp3A_307 : vector<16xf32>
      %div3A_311 = arith.constant 1.000000e+00 : f32
      %div3A_312 = vector.broadcast %div3A_311 : f32 to vector<16xf32>
      %div3A_313 = arith.divf %div3A_312, %add3A_310 : vector<16xf32>
      %mul3A_314 = arith.mulf %div3A_313, %get3A_300 : vector<16xf32>
      %add3A_315 = arith.addf %add3A_297, %mul3A_314 : vector<16xf32>
      %get3A_316 = arith.index_cast %add3A_265 : i32 to index
      %get3A_317 = arith.constant 48 : index
      %get3A_318 = tpu.vector_load %arg13[%get3A_316, %get3A_317] {strides = array<i32>} : memref<512x64xf32, #tpu.memory_space<vmem>>, vector<16xf32>,
      %get3A_319 = arith.index_cast %add3A_265 : i32 to index
      %get3A_320 = arith.constant 48 : index
      %get3A_321 = tpu.vector_load %arg14[%get3A_319, %get3A_320] {strides = array<i32>} : memref<512x64xf32, #tpu.memory_space<vmem>>, vector<16xf32>,
      %neg3A_322 = arith.constant 0.000000e+00 : f32
      %neg3A_323 = vector.broadcast %neg3A_322 : f32 to vector<16xf32>
      %neg3A_324 = arith.subf %neg3A_323, %get3A_321 : vector<16xf32>
      %exp3A_325 = math.exp %neg3A_324 : vector<16xf32>
      %add3A_326 = arith.constant 1.000000e+00 : f32
      %add3A_327 = vector.broadcast %add3A_326 : f32 to vector<16xf32>
      %add3A_328 = arith.addf %add3A_327, %exp3A_325 : vector<16xf32>
      %div3A_329 = arith.constant 1.000000e+00 : f32
      %div3A_330 = vector.broadcast %div3A_329 : f32 to vector<16xf32>
      %div3A_331 = arith.divf %div3A_330, %add3A_328 : vector<16xf32>
      %mul3A_332 = arith.mulf %div3A_331, %get3A_318 : vector<16xf32>
      %add3A_333 = arith.addf %add3A_315, %mul3A_332 : vector<16xf32>
      %swap3A = arith.constant 0 : index
      %swap3A_334 = tpu.vector_load %arg18[%swap3A] {strides = array<i32>} : memref<256xf32, #tpu.memory_space<vmem>>, vector<16xf32>,
      tpu.vector_store %arg18[%swap3A], %add3A_333 {strides = array<i32>} : memref<256xf32, #tpu.memory_space<vmem>>, vector<16xf32>,
      %mul3A_335 = arith.constant 16 : i32
      %mul3A_336 = arith.muli %scan3A_260, %mul3A_335 : i32
      %add3A_337 = arith.constant 1 : i32
      %add3A_338 = arith.addi %mul3A_336, %add3A_337 : i32
      %get3A_339 = arith.index_cast %add3A_338 : i32 to index
      %get3A_340 = arith.constant 0 : index
      %get3A_341 = tpu.vector_load %arg13[%get3A_339, %get3A_340] {strides = array<i32>} : memref<512x64xf32, #tpu.memory_space<vmem>>, vector<16xf32>,
      %get3A_342 = arith.index_cast %add3A_338 : i32 to index
      %get3A_343 = arith.constant 0 : index
      %get3A_344 = tpu.vector_load %arg14[%get3A_342, %get3A_343] {strides = array<i32>} : memref<512x64xf32, #tpu.memory_space<vmem>>, vector<16xf32>,
      %neg3A_345 = arith.constant 0.000000e+00 : f32
      %neg3A_346 = vector.broadcast %neg3A_345 : f32 to vector<16xf32>
      %neg3A_347 = arith.subf %neg3A_346, %get3A_344 : vector<16xf32>
      %exp3A_348 = math.exp %neg3A_347 : vector<16xf32>
      %add3A_349 = arith.constant 1.000000e+00 : f32
      %add3A_350 = vector.broadcast %add3A_349 : f32 to vector<16xf32>
      %add3A_351 = arith.addf %add3A_350, %exp3A_348 : vector<16xf32>
      %div3A_352 = arith.constant 1.000000e+00 : f32
      %div3A_353 = vector.broadcast %div3A_352 : f32 to vector<16xf32>
      %div3A_354 = arith.divf %div3A_353, %add3A_351 : vector<16xf32>
      %mul3A_355 = arith.mulf %div3A_354, %get3A_341 : vector<16xf32>
      %get3A_356 = arith.index_cast %add3A_338 : i32 to index
      %get3A_357 = arith.constant 16 : index
      %get3A_358 = tpu.vector_load %arg13[%get3A_356, %get3A_357] {strides = array<i32>} : memref<512x64xf32, #tpu.memory_space<vmem>>, vector<16xf32>,
      %get3A_359 = arith.index_cast %add3A_338 : i32 to index
      %get3A_360 = arith.constant 16 : index
      %get3A_361 = tpu.vector_load %arg14[%get3A_359, %get3A_360] {strides = array<i32>} : memref<512x64xf32, #tpu.memory_space<vmem>>, vector<16xf32>,
      %neg3A_362 = arith.constant 0.000000e+00 : f32
      %neg3A_363 = vector.broadcast %neg3A_362 : f32 to vector<16xf32>
      %neg3A_364 = arith.subf %neg3A_363, %get3A_361 : vector<16xf32>
      %exp3A_365 = math.exp %neg3A_364 : vector<16xf32>
      %add3A_366 = arith.constant 1.000000e+00 : f32
      %add3A_367 = vector.broadcast %add3A_366 : f32 to vector<16xf32>
      %add3A_368 = arith.addf %add3A_367, %exp3A_365 : vector<16xf32>
      %div3A_369 = arith.constant 1.000000e+00 : f32
      %div3A_370 = vector.broadcast %div3A_369 : f32 to vector<16xf32>
      %div3A_371 = arith.divf %div3A_370, %add3A_368 : vector<16xf32>
      %mul3A_372 = arith.mulf %div3A_371, %get3A_358 : vector<16xf32>
      %add3A_373 = arith.addf %mul3A_355, %mul3A_372 : vector<16xf32>
      %get3A_374 = arith.index_cast %add3A_338 : i32 to index
      %get3A_375 = arith.constant 32 : index
      %get3A_376 = tpu.vector_load %arg13[%get3A_374, %get3A_375] {strides = array<i32>} : memref<512x64xf32, #tpu.memory_space<vmem>>, vector<16xf32>,
      %get3A_377 = arith.index_cast %add3A_338 : i32 to index
      %get3A_378 = arith.constant 32 : index
      %get3A_379 = tpu.vector_load %arg14[%get3A_377, %get3A_378] {strides = array<i32>} : memref<512x64xf32, #tpu.memory_space<vmem>>, vector<16xf32>,
      %neg3A_380 = arith.constant 0.000000e+00 : f32
      %neg3A_381 = vector.broadcast %neg3A_380 : f32 to vector<16xf32>
      %neg3A_382 = arith.subf %neg3A_381, %get3A_379 : vector<16xf32>
      %exp3A_383 = math.exp %neg3A_382 : vector<16xf32>
      %add3A_384 = arith.constant 1.000000e+00 : f32
      %add3A_385 = vector.broadcast %add3A_384 : f32 to vector<16xf32>
      %add3A_386 = arith.addf %add3A_385, %exp3A_383 : vector<16xf32>
      %div3A_387 = arith.constant 1.000000e+00 : f32
      %div3A_388 = vector.broadcast %div3A_387 : f32 to vector<16xf32>
      %div3A_389 = arith.divf %div3A_388, %add3A_386 : vector<16xf32>
      %mul3A_390 = arith.mulf %div3A_389, %get3A_376 : vector<16xf32>
      %add3A_391 = arith.addf %add3A_373, %mul3A_390 : vector<16xf32>
      %get3A_392 = arith.index_cast %add3A_338 : i32 to index
      %get3A_393 = arith.constant 48 : index
      %get3A_394 = tpu.vector_load %arg13[%get3A_392, %get3A_393] {strides = array<i32>} : memref<512x64xf32, #tpu.memory_space<vmem>>, vector<16xf32>,
      %get3A_395 = arith.index_cast %add3A_338 : i32 to index
      %get3A_396 = arith.constant 48 : index
      %get3A_397 = tpu.vector_load %arg14[%get3A_395, %get3A_396] {strides = array<i32>} : memref<512x64xf32, #tpu.memory_space<vmem>>, vector<16xf32>,
      %neg3A_398 = arith.constant 0.000000e+00 : f32
      %neg3A_399 = vector.broadcast %neg3A_398 : f32 to vector<16xf32>
      %neg3A_400 = arith.subf %neg3A_399, %get3A_397 : vector<16xf32>
      %exp3A_401 = math.exp %neg3A_400 : vector<16xf32>
      %add3A_402 = arith.constant 1.000000e+00 : f32
      %add3A_403 = vector.broadcast %add3A_402 : f32 to vector<16xf32>
      %add3A_404 = arith.addf %add3A_403, %exp3A_401 : vector<16xf32>
      %div3A_405 = arith.constant 1.000000e+00 : f32
      %div3A_406 = vector.broadcast %div3A_405 : f32 to vector<16xf32>
      %div3A_407 = arith.divf %div3A_406, %add3A_404 : vector<16xf32>
      %mul3A_408 = arith.mulf %div3A_407, %get3A_394 : vector<16xf32>
      %add3A_409 = arith.addf %add3A_391, %mul3A_408 : vector<16xf32>
      %swap3A_410 = arith.constant 16 : index
      %swap3A_411 = tpu.vector_load %arg18[%swap3A_410] {strides = array<i32>} : memref<256xf32, #tpu.memory_space<vmem>>, vector<16xf32>,
      tpu.vector_store %arg18[%swap3A_410], %add3A_409 {strides = array<i32>} : memref<256xf32, #tpu.memory_space<vmem>>, vector<16xf32>,
      %mul3A_412 = arith.constant 16 : i32
      %mul3A_413 = arith.muli %scan3A_260, %mul3A_412 : i32
      %add3A_414 = arith.constant 2 : i32
      %add3A_415 = arith.addi %mul3A_413, %add3A_414 : i32
      %get3A_416 = arith.index_cast %add3A_415 : i32 to index
      %get3A_417 = arith.constant 0 : index
      %get3A_418 = tpu.vector_load %arg13[%get3A_416, %get3A_417] {strides = array<i32>} : memref<512x64xf32, #tpu.memory_space<vmem>>, vector<16xf32>,
      %get3A_419 = arith.index_cast %add3A_415 : i32 to index
      %get3A_420 = arith.constant 0 : index
      %get3A_421 = tpu.vector_load %arg14[%get3A_419, %get3A_420] {strides = array<i32>} : memref<512x64xf32, #tpu.memory_space<vmem>>, vector<16xf32>,
      %neg3A_422 = arith.constant 0.000000e+00 : f32
      %neg3A_423 = vector.broadcast %neg3A_422 : f32 to vector<16xf32>
      %neg3A_424 = arith.subf %neg3A_423, %get3A_421 : vector<16xf32>
      %exp3A_425 = math.exp %neg3A_424 : vector<16xf32>
      %add3A_426 = arith.constant 1.000000e+00 : f32
      %add3A_427 = vector.broadcast %add3A_426 : f32 to vector<16xf32>
      %add3A_428 = arith.addf %add3A_427, %exp3A_425 : vector<16xf32>
      %div3A_429 = arith.constant 1.000000e+00 : f32
      %div3A_430 = vector.broadcast %div3A_429 : f32 to vector<16xf32>
      %div3A_431 = arith.divf %div3A_430, %add3A_428 : vector<16xf32>
      %mul3A_432 = arith.mulf %div3A_431, %get3A_418 : vector<16xf32>
      %get3A_433 = arith.index_cast %add3A_415 : i32 to index
      %get3A_434 = arith.constant 16 : index
      %get3A_435 = tpu.vector_load %arg13[%get3A_433, %get3A_434] {strides = array<i32>} : memref<512x64xf32, #tpu.memory_space<vmem>>, vector<16xf32>,
      %get3A_436 = arith.index_cast %add3A_415 : i32 to index
      %get3A_437 = arith.constant 16 : index
      %get3A_438 = tpu.vector_load %arg14[%get3A_436, %get3A_437] {strides = array<i32>} : memref<512x64xf32, #tpu.memory_space<vmem>>, vector<16xf32>,
      %neg3A_439 = arith.constant 0.000000e+00 : f32
      %neg3A_440 = vector.broadcast %neg3A_439 : f32 to vector<16xf32>
      %neg3A_441 = arith.subf %neg3A_440, %get3A_438 : vector<16xf32>
      %exp3A_442 = math.exp %neg3A_441 : vector<16xf32>
      %add3A_443 = arith.constant 1.000000e+00 : f32
      %add3A_444 = vector.broadcast %add3A_443 : f32 to vector<16xf32>
      %add3A_445 = arith.addf %add3A_444, %exp3A_442 : vector<16xf32>
      %div3A_446 = arith.constant 1.000000e+00 : f32
      %div3A_447 = vector.broadcast %div3A_446 : f32 to vector<16xf32>
      %div3A_448 = arith.divf %div3A_447, %add3A_445 : vector<16xf32>
      %mul3A_449 = arith.mulf %div3A_448, %get3A_435 : vector<16xf32>
      %add3A_450 = arith.addf %mul3A_432, %mul3A_449 : vector<16xf32>
      %get3A_451 = arith.index_cast %add3A_415 : i32 to index
      %get3A_452 = arith.constant 32 : index
      %get3A_453 = tpu.vector_load %arg13[%get3A_451, %get3A_452] {strides = array<i32>} : memref<512x64xf32, #tpu.memory_space<vmem>>, vector<16xf32>,
      %get3A_454 = arith.index_cast %add3A_415 : i32 to index
      %get3A_455 = arith.constant 32 : index
      %get3A_456 = tpu.vector_load %arg14[%get3A_454, %get3A_455] {strides = array<i32>} : memref<512x64xf32, #tpu.memory_space<vmem>>, vector<16xf32>,
      %neg3A_457 = arith.constant 0.000000e+00 : f32
      %neg3A_458 = vector.broadcast %neg3A_457 : f32 to vector<16xf32>
      %neg3A_459 = arith.subf %neg3A_458, %get3A_456 : vector<16xf32>
      %exp3A_460 = math.exp %neg3A_459 : vector<16xf32>
      %add3A_461 = arith.constant 1.000000e+00 : f32
      %add3A_462 = vector.broadcast %add3A_461 : f32 to vector<16xf32>
      %add3A_463 = arith.addf %add3A_462, %exp3A_460 : vector<16xf32>
      %div3A_464 = arith.constant 1.000000e+00 : f32
      %div3A_465 = vector.broadcast %div3A_464 : f32 to vector<16xf32>
      %div3A_466 = arith.divf %div3A_465, %add3A_463 : vector<16xf32>
      %mul3A_467 = arith.mulf %div3A_466, %get3A_453 : vector<16xf32>
      %add3A_468 = arith.addf %add3A_450, %mul3A_467 : vector<16xf32>
      %get3A_469 = arith.index_cast %add3A_415 : i32 to index
      %get3A_470 = arith.constant 48 : index
      %get3A_471 = tpu.vector_load %arg13[%get3A_469, %get3A_470] {strides = array<i32>} : memref<512x64xf32, #tpu.memory_space<vmem>>, vector<16xf32>,
      %get3A_472 = arith.index_cast %add3A_415 : i32 to index
      %get3A_473 = arith.constant 48 : index
      %get3A_474 = tpu.vector_load %arg14[%get3A_472, %get3A_473] {strides = array<i32>} : memref<512x64xf32, #tpu.memory_space<vmem>>, vector<16xf32>,
      %neg3A_475 = arith.constant 0.000000e+00 : f32
      %neg3A_476 = vector.broadcast %neg3A_475 : f32 to vector<16xf32>
      %neg3A_477 = arith.subf %neg3A_476, %get3A_474 : vector<16xf32>
      %exp3A_478 = math.exp %neg3A_477 : vector<16xf32>
      %add3A_479 = arith.constant 1.000000e+00 : f32
      %add3A_480 = vector.broadcast %add3A_479 : f32 to vector<16xf32>
      %add3A_481 = arith.addf %add3A_480, %exp3A_478 : vector<16xf32>
      %div3A_482 = arith.constant 1.000000e+00 : f32
      %div3A_483 = vector.broadcast %div3A_482 : f32 to vector<16xf32>
      %div3A_484 = arith.divf %div3A_483, %add3A_481 : vector<16xf32>
      %mul3A_485 = arith.mulf %div3A_484, %get3A_471 : vector<16xf32>
      %add3A_486 = arith.addf %add3A_468, %mul3A_485 : vector<16xf32>
      %swap3A_487 = arith.constant 32 : index
      %swap3A_488 = tpu.vector_load %arg18[%swap3A_487] {strides = array<i32>} : memref<256xf32, #tpu.memory_space<vmem>>, vector<16xf32>,
      tpu.vector_store %arg18[%swap3A_487], %add3A_486 {strides = array<i32>} : memref<256xf32, #tpu.memory_space<vmem>>, vector<16xf32>,
      %mul3A_489 = arith.constant 16 : i32
      %mul3A_490 = arith.muli %scan3A_260, %mul3A_489 : i32
      %add3A_491 = arith.constant 3 : i32
      %add3A_492 = arith.addi %mul3A_490, %add3A_491 : i32
      %get3A_493 = arith.index_cast %add3A_492 : i32 to index
      %get3A_494 = arith.constant 0 : index
      %get3A_495 = tpu.vector_load %arg13[%get3A_493, %get3A_494] {strides = array<i32>} : memref<512x64xf32, #tpu.memory_space<vmem>>, vector<16xf32>,
      %get3A_496 = arith.index_cast %add3A_492 : i32 to index
      %get3A_497 = arith.constant 0 : index
      %get3A_498 = tpu.vector_load %arg14[%get3A_496, %get3A_497] {strides = array<i32>} : memref<512x64xf32, #tpu.memory_space<vmem>>, vector<16xf32>,
      %neg3A_499 = arith.constant 0.000000e+00 : f32
      %neg3A_500 = vector.broadcast %neg3A_499 : f32 to vector<16xf32>
      %neg3A_501 = arith.subf %neg3A_500, %get3A_498 : vector<16xf32>
      %exp3A_502 = math.exp %neg3A_501 : vector<16xf32>
      %add3A_503 = arith.constant 1.000000e+00 : f32
      %add3A_504 = vector.broadcast %add3A_503 : f32 to vector<16xf32>
      %add3A_505 = arith.addf %add3A_504, %exp3A_502 : vector<16xf32>
      %div3A_506 = arith.constant 1.000000e+00 : f32
      %div3A_507 = vector.broadcast %div3A_506 : f32 to vector<16xf32>
      %div3A_508 = arith.divf %div3A_507, %add3A_505 : vector<16xf32>
      %mul3A_509 = arith.mulf %div3A_508, %get3A_495 : vector<16xf32>
      %get3A_510 = arith.index_cast %add3A_492 : i32 to index
      %get3A_511 = arith.constant 16 : index
      %get3A_512 = tpu.vector_load %arg13[%get3A_510, %get3A_511] {strides = array<i32>} : memref<512x64xf32, #tpu.memory_space<vmem>>, vector<16xf32>,
      %get3A_513 = arith.index_cast %add3A_492 : i32 to index
      %get3A_514 = arith.constant 16 : index
      %get3A_515 = tpu.vector_load %arg14[%get3A_513, %get3A_514] {strides = array<i32>} : memref<512x64xf32, #tpu.memory_space<vmem>>, vector<16xf32>,
      %neg3A_516 = arith.constant 0.000000e+00 : f32
      %neg3A_517 = vector.broadcast %neg3A_516 : f32 to vector<16xf32>
      %neg3A_518 = arith.subf %neg3A_517, %get3A_515 : vector<16xf32>
      %exp3A_519 = math.exp %neg3A_518 : vector<16xf32>
      %add3A_520 = arith.constant 1.000000e+00 : f32
      %add3A_521 = vector.broadcast %add3A_520 : f32 to vector<16xf32>
      %add3A_522 = arith.addf %add3A_521, %exp3A_519 : vector<16xf32>
      %div3A_523 = arith.constant 1.000000e+00 : f32
      %div3A_524 = vector.broadcast %div3A_523 : f32 to vector<16xf32>
      %div3A_525 = arith.divf %div3A_524, %add3A_522 : vector<16xf32>
      %mul3A_526 = arith.mulf %div3A_525, %get3A_512 : vector<16xf32>
      %add3A_527 = arith.addf %mul3A_509, %mul3A_526 : vector<16xf32>
      %get3A_528 = arith.index_cast %add3A_492 : i32 to index
      %get3A_529 = arith.constant 32 : index
      %get3A_530 = tpu.vector_load %arg13[%get3A_528, %get3A_529] {strides = array<i32>} : memref<512x64xf32, #tpu.memory_space<vmem>>, vector<16xf32>,
      %get3A_531 = arith.index_cast %add3A_492 : i32 to index
      %get3A_532 = arith.constant 32 : index
      %get3A_533 = tpu.vector_load %arg14[%get3A_531, %get3A_532] {strides = array<i32>} : memref<512x64xf32, #tpu.memory_space<vmem>>, vector<16xf32>,
      %neg3A_534 = arith.constant 0.000000e+00 : f32
      %neg3A_535 = vector.broadcast %neg3A_534 : f32 to vector<16xf32>
      %neg3A_536 = arith.subf %neg3A_535, %get3A_533 : vector<16xf32>
      %exp3A_537 = math.exp %neg3A_536 : vector<16xf32>
      %add3A_538 = arith.constant 1.000000e+00 : f32
      %add3A_539 = vector.broadcast %add3A_538 : f32 to vector<16xf32>
      %add3A_540 = arith.addf %add3A_539, %exp3A_537 : vector<16xf32>
      %div3A_541 = arith.constant 1.000000e+00 : f32
      %div3A_542 = vector.broadcast %div3A_541 : f32 to vector<16xf32>
      %div3A_543 = arith.divf %div3A_542, %add3A_540 : vector<16xf32>
      %mul3A_544 = arith.mulf %div3A_543, %get3A_530 : vector<16xf32>
      %add3A_545 = arith.addf %add3A_527, %mul3A_544 : vector<16xf32>
      %get3A_546 = arith.index_cast %add3A_492 : i32 to index
      %get3A_547 = arith.constant 48 : index
      %get3A_548 = tpu.vector_load %arg13[%get3A_546, %get3A_547] {strides = array<i32>} : memref<512x64xf32, #tpu.memory_space<vmem>>, vector<16xf32>,
      %get3A_549 = arith.index_cast %add3A_492 : i32 to index
      %get3A_550 = arith.constant 48 : index
      %get3A_551 = tpu.vector_load %arg14[%get3A_549, %get3A_550] {strides = array<i32>} : memref<512x64xf32, #tpu.memory_space<vmem>>, vector<16xf32>,
      %neg3A_552 = arith.constant 0.000000e+00 : f32
      %neg3A_553 = vector.broadcast %neg3A_552 : f32 to vector<16xf32>
      %neg3A_554 = arith.subf %neg3A_553, %get3A_551 : vector<16xf32>
      %exp3A_555 = math.exp %neg3A_554 : vector<16xf32>
      %add3A_556 = arith.constant 1.000000e+00 : f32
      %add3A_557 = vector.broadcast %add3A_556 : f32 to vector<16xf32>
      %add3A_558 = arith.addf %add3A_557, %exp3A_555 : vector<16xf32>
      %div3A_559 = arith.constant 1.000000e+00 : f32
      %div3A_560 = vector.broadcast %div3A_559 : f32 to vector<16xf32>
      %div3A_561 = arith.divf %div3A_560, %add3A_558 : vector<16xf32>
      %mul3A_562 = arith.mulf %div3A_561, %get3A_548 : vector<16xf32>
      %add3A_563 = arith.addf %add3A_545, %mul3A_562 : vector<16xf32>
      %swap3A_564 = arith.constant 48 : index
      %swap3A_565 = tpu.vector_load %arg18[%swap3A_564] {strides = array<i32>} : memref<256xf32, #tpu.memory_space<vmem>>, vector<16xf32>,
      tpu.vector_store %arg18[%swap3A_564], %add3A_563 {strides = array<i32>} : memref<256xf32, #tpu.memory_space<vmem>>, vector<16xf32>,
      %mul3A_566 = arith.constant 16 : i32
      %mul3A_567 = arith.muli %scan3A_260, %mul3A_566 : i32
      %add3A_568 = arith.constant 4 : i32
      %add3A_569 = arith.addi %mul3A_567, %add3A_568 : i32
      %get3A_570 = arith.index_cast %add3A_569 : i32 to index
      %get3A_571 = arith.constant 0 : index
      %get3A_572 = tpu.vector_load %arg13[%get3A_570, %get3A_571] {strides = array<i32>} : memref<512x64xf32, #tpu.memory_space<vmem>>, vector<16xf32>,
      %get3A_573 = arith.index_cast %add3A_569 : i32 to index
      %get3A_574 = arith.constant 0 : index
      %get3A_575 = tpu.vector_load %arg14[%get3A_573, %get3A_574] {strides = array<i32>} : memref<512x64xf32, #tpu.memory_space<vmem>>, vector<16xf32>,
      %neg3A_576 = arith.constant 0.000000e+00 : f32
      %neg3A_577 = vector.broadcast %neg3A_576 : f32 to vector<16xf32>
      %neg3A_578 = arith.subf %neg3A_577, %get3A_575 : vector<16xf32>
      %exp3A_579 = math.exp %neg3A_578 : vector<16xf32>
      %add3A_580 = arith.constant 1.000000e+00 : f32
      %add3A_581 = vector.broadcast %add3A_580 : f32 to vector<16xf32>
      %add3A_582 = arith.addf %add3A_581, %exp3A_579 : vector<16xf32>
      %div3A_583 = arith.constant 1.000000e+00 : f32
      %div3A_584 = vector.broadcast %div3A_583 : f32 to vector<16xf32>
      %div3A_585 = arith.divf %div3A_584, %add3A_582 : vector<16xf32>
      %mul3A_586 = arith.mulf %div3A_585, %get3A_572 : vector<16xf32>
      %get3A_587 = arith.index_cast %add3A_569 : i32 to index
      %get3A_588 = arith.constant 16 : index
      %get3A_589 = tpu.vector_load %arg13[%get3A_587, %get3A_588] {strides = array<i32>} : memref<512x64xf32, #tpu.memory_space<vmem>>, vector<16xf32>,
      %get3A_590 = arith.index_cast %add3A_569 : i32 to index
      %get3A_591 = arith.constant 16 : index
      %get3A_592 = tpu.vector_load %arg14[%get3A_590, %get3A_591] {strides = array<i32>} : memref<512x64xf32, #tpu.memory_space<vmem>>, vector<16xf32>,
      %neg3A_593 = arith.constant 0.000000e+00 : f32
      %neg3A_594 = vector.broadcast %neg3A_593 : f32 to vector<16xf32>
      %neg3A_595 = arith.subf %neg3A_594, %get3A_592 : vector<16xf32>
      %exp3A_596 = math.exp %neg3A_595 : vector<16xf32>
      %add3A_597 = arith.constant 1.000000e+00 : f32
      %add3A_598 = vector.broadcast %add3A_597 : f32 to vector<16xf32>
      %add3A_599 = arith.addf %add3A_598, %exp3A_596 : vector<16xf32>
      %div3A_600 = arith.constant 1.000000e+00 : f32
      %div3A_601 = vector.broadcast %div3A_600 : f32 to vector<16xf32>
      %div3A_602 = arith.divf %div3A_601, %add3A_599 : vector<16xf32>
      %mul3A_603 = arith.mulf %div3A_602, %get3A_589 : vector<16xf32>
      %add3A_604 = arith.addf %mul3A_586, %mul3A_603 : vector<16xf32>
      %get3A_605 = arith.index_cast %add3A_569 : i32 to index
      %get3A_606 = arith.constant 32 : index
      %get3A_607 = tpu.vector_load %arg13[%get3A_605, %get3A_606] {strides = array<i32>} : memref<512x64xf32, #tpu.memory_space<vmem>>, vector<16xf32>,
      %get3A_608 = arith.index_cast %add3A_569 : i32 to index
      %get3A_609 = arith.constant 32 : index
      %get3A_610 = tpu.vector_load %arg14[%get3A_608, %get3A_609] {strides = array<i32>} : memref<512x64xf32, #tpu.memory_space<vmem>>, vector<16xf32>,
      %neg3A_611 = arith.constant 0.000000e+00 : f32
      %neg3A_612 = vector.broadcast %neg3A_611 : f32 to vector<16xf32>
      %neg3A_613 = arith.subf %neg3A_612, %get3A_610 : vector<16xf32>
      %exp3A_614 = math.exp %neg3A_613 : vector<16xf32>
      %add3A_615 = arith.constant 1.000000e+00 : f32
      %add3A_616 = vector.broadcast %add3A_615 : f32 to vector<16xf32>
      %add3A_617 = arith.addf %add3A_616, %exp3A_614 : vector<16xf32>
      %div3A_618 = arith.constant 1.000000e+00 : f32
      %div3A_619 = vector.broadcast %div3A_618 : f32 to vector<16xf32>
      %div3A_620 = arith.divf %div3A_619, %add3A_617 : vector<16xf32>
      %mul3A_621 = arith.mulf %div3A_620, %get3A_607 : vector<16xf32>
      %add3A_622 = arith.addf %add3A_604, %mul3A_621 : vector<16xf32>
      %get3A_623 = arith.index_cast %add3A_569 : i32 to index
      %get3A_624 = arith.constant 48 : index
      %get3A_625 = tpu.vector_load %arg13[%get3A_623, %get3A_624] {strides = array<i32>} : memref<512x64xf32, #tpu.memory_space<vmem>>, vector<16xf32>,
      %get3A_626 = arith.index_cast %add3A_569 : i32 to index
      %get3A_627 = arith.constant 48 : index
      %get3A_628 = tpu.vector_load %arg14[%get3A_626, %get3A_627] {strides = array<i32>} : memref<512x64xf32, #tpu.memory_space<vmem>>, vector<16xf32>,
      %neg3A_629 = arith.constant 0.000000e+00 : f32
      %neg3A_630 = vector.broadcast %neg3A_629 : f32 to vector<16xf32>
      %neg3A_631 = arith.subf %neg3A_630, %get3A_628 : vector<16xf32>
      %exp3A_632 = math.exp %neg3A_631 : vector<16xf32>
      %add3A_633 = arith.constant 1.000000e+00 : f32
      %add3A_634 = vector.broadcast %add3A_633 : f32 to vector<16xf32>
      %add3A_635 = arith.addf %add3A_634, %exp3A_632 : vector<16xf32>
      %div3A_636 = arith.constant 1.000000e+00 : f32
      %div3A_637 = vector.broadcast %div3A_636 : f32 to vector<16xf32>
      %div3A_638 = arith.divf %div3A_637, %add3A_635 : vector<16xf32>
      %mul3A_639 = arith.mulf %div3A_638, %get3A_625 : vector<16xf32>
      %add3A_640 = arith.addf %add3A_622, %mul3A_639 : vector<16xf32>
      %swap3A_641 = arith.constant 64 : index
      %swap3A_642 = tpu.vector_load %arg18[%swap3A_641] {strides = array<i32>} : memref<256xf32, #tpu.memory_space<vmem>>, vector<16xf32>,
      tpu.vector_store %arg18[%swap3A_641], %add3A_640 {strides = array<i32>} : memref<256xf32, #tpu.memory_space<vmem>>, vector<16xf32>,
      %mul3A_643 = arith.constant 16 : i32
      %mul3A_644 = arith.muli %scan3A_260, %mul3A_643 : i32
      %add3A_645 = arith.constant 5 : i32
      %add3A_646 = arith.addi %mul3A_644, %add3A_645 : i32
      %get3A_647 = arith.index_cast %add3A_646 : i32 to index
      %get3A_648 = arith.constant 0 : index
      %get3A_649 = tpu.vector_load %arg13[%get3A_647, %get3A_648] {strides = array<i32>} : memref<512x64xf32, #tpu.memory_space<vmem>>, vector<16xf32>,
      %get3A_650 = arith.index_cast %add3A_646 : i32 to index
      %get3A_651 = arith.constant 0 : index
      %get3A_652 = tpu.vector_load %arg14[%get3A_650, %get3A_651] {strides = array<i32>} : memref<512x64xf32, #tpu.memory_space<vmem>>, vector<16xf32>,
      %neg3A_653 = arith.constant 0.000000e+00 : f32
      %neg3A_654 = vector.broadcast %neg3A_653 : f32 to vector<16xf32>
      %neg3A_655 = arith.subf %neg3A_654, %get3A_652 : vector<16xf32>
      %exp3A_656 = math.exp %neg3A_655 : vector<16xf32>
      %add3A_657 = arith.constant 1.000000e+00 : f32
      %add3A_658 = vector.broadcast %add3A_657 : f32 to vector<16xf32>
      %add3A_659 = arith.addf %add3A_658, %exp3A_656 : vector<16xf32>
      %div3A_660 = arith.constant 1.000000e+00 : f32
      %div3A_661 = vector.broadcast %div3A_660 : f32 to vector<16xf32>
      %div3A_662 = arith.divf %div3A_661, %add3A_659 : vector<16xf32>
      %mul3A_663 = arith.mulf %div3A_662, %get3A_649 : vector<16xf32>
      %get3A_664 = arith.index_cast %add3A_646 : i32 to index
      %get3A_665 = arith.constant 16 : index
      %get3A_666 = tpu.vector_load %arg13[%get3A_664, %get3A_665] {strides = array<i32>} : memref<512x64xf32, #tpu.memory_space<vmem>>, vector<16xf32>,
      %get3A_667 = arith.index_cast %add3A_646 : i32 to index
      %get3A_668 = arith.constant 16 : index
      %get3A_669 = tpu.vector_load %arg14[%get3A_667, %get3A_668] {strides = array<i32>} : memref<512x64xf32, #tpu.memory_space<vmem>>, vector<16xf32>,
      %neg3A_670 = arith.constant 0.000000e+00 : f32
      %neg3A_671 = vector.broadcast %neg3A_670 : f32 to vector<16xf32>
      %neg3A_672 = arith.subf %neg3A_671, %get3A_669 : vector<16xf32>
      %exp3A_673 = math.exp %neg3A_672 : vector<16xf32>
      %add3A_674 = arith.constant 1.000000e+00 : f32
      %add3A_675 = vector.broadcast %add3A_674 : f32 to vector<16xf32>
      %add3A_676 = arith.addf %add3A_675, %exp3A_673 : vector<16xf32>
      %div3A_677 = arith.constant 1.000000e+00 : f32
      %div3A_678 = vector.broadcast %div3A_677 : f32 to vector<16xf32>
      %div3A_679 = arith.divf %div3A_678, %add3A_676 : vector<16xf32>
      %mul3A_680 = arith.mulf %div3A_679, %get3A_666 : vector<16xf32>
      %add3A_681 = arith.addf %mul3A_663, %mul3A_680 : vector<16xf32>
      %get3A_682 = arith.index_cast %add3A_646 : i32 to index
      %get3A_683 = arith.constant 32 : index
      %get3A_684 = tpu.vector_load %arg13[%get3A_682, %get3A_683] {strides = array<i32>} : memref<512x64xf32, #tpu.memory_space<vmem>>, vector<16xf32>,
      %get3A_685 = arith.index_cast %add3A_646 : i32 to index
      %get3A_686 = arith.constant 32 : index
      %get3A_687 = tpu.vector_load %arg14[%get3A_685, %get3A_686] {strides = array<i32>} : memref<512x64xf32, #tpu.memory_space<vmem>>, vector<16xf32>,
      %neg3A_688 = arith.constant 0.000000e+00 : f32
      %neg3A_689 = vector.broadcast %neg3A_688 : f32 to vector<16xf32>
      %neg3A_690 = arith.subf %neg3A_689, %get3A_687 : vector<16xf32>
      %exp3A_691 = math.exp %neg3A_690 : vector<16xf32>
      %add3A_692 = arith.constant 1.000000e+00 : f32
      %add3A_693 = vector.broadcast %add3A_692 : f32 to vector<16xf32>
      %add3A_694 = arith.addf %add3A_693, %exp3A_691 : vector<16xf32>
      %div3A_695 = arith.constant 1.000000e+00 : f32
      %div3A_696 = vector.broadcast %div3A_695 : f32 to vector<16xf32>
      %div3A_697 = arith.divf %div3A_696, %add3A_694 : vector<16xf32>
      %mul3A_698 = arith.mulf %div3A_697, %get3A_684 : vector<16xf32>
      %add3A_699 = arith.addf %add3A_681, %mul3A_698 : vector<16xf32>
      %get3A_700 = arith.index_cast %add3A_646 : i32 to index
      %get3A_701 = arith.constant 48 : index
      %get3A_702 = tpu.vector_load %arg13[%get3A_700, %get3A_701] {strides = array<i32>} : memref<512x64xf32, #tpu.memory_space<vmem>>, vector<16xf32>,
      %get3A_703 = arith.index_cast %add3A_646 : i32 to index
      %get3A_704 = arith.constant 48 : index
      %get3A_705 = tpu.vector_load %arg14[%get3A_703, %get3A_704] {strides = array<i32>} : memref<512x64xf32, #tpu.memory_space<vmem>>, vector<16xf32>,
      %neg3A_706 = arith.constant 0.000000e+00 : f32
      %neg3A_707 = vector.broadcast %neg3A_706 : f32 to vector<16xf32>
      %neg3A_708 = arith.subf %neg3A_707, %get3A_705 : vector<16xf32>
      %exp3A_709 = math.exp %neg3A_708 : vector<16xf32>
      %add3A_710 = arith.constant 1.000000e+00 : f32
      %add3A_711 = vector.broadcast %add3A_710 : f32 to vector<16xf32>
      %add3A_712 = arith.addf %add3A_711, %exp3A_709 : vector<16xf32>
      %div3A_713 = arith.constant 1.000000e+00 : f32
      %div3A_714 = vector.broadcast %div3A_713 : f32 to vector<16xf32>
      %div3A_715 = arith.divf %div3A_714, %add3A_712 : vector<16xf32>
      %mul3A_716 = arith.mulf %div3A_715, %get3A_702 : vector<16xf32>
      %add3A_717 = arith.addf %add3A_699, %mul3A_716 : vector<16xf32>
      %swap3A_718 = arith.constant 80 : index
      %swap3A_719 = tpu.vector_load %arg18[%swap3A_718] {strides = array<i32>} : memref<256xf32, #tpu.memory_space<vmem>>, vector<16xf32>,
      tpu.vector_store %arg18[%swap3A_718], %add3A_717 {strides = array<i32>} : memref<256xf32, #tpu.memory_space<vmem>>, vector<16xf32>,
      %mul3A_720 = arith.constant 16 : i32
      %mul3A_721 = arith.muli %scan3A_260, %mul3A_720 : i32
      %add3A_722 = arith.constant 6 : i32
      %add3A_723 = arith.addi %mul3A_721, %add3A_722 : i32
      %get3A_724 = arith.index_cast %add3A_723 : i32 to index
      %get3A_725 = arith.constant 0 : index
      %get3A_726 = tpu.vector_load %arg13[%get3A_724, %get3A_725] {strides = array<i32>} : memref<512x64xf32, #tpu.memory_space<vmem>>, vector<16xf32>,
      %get3A_727 = arith.index_cast %add3A_723 : i32 to index
      %get3A_728 = arith.constant 0 : index
      %get3A_729 = tpu.vector_load %arg14[%get3A_727, %get3A_728] {strides = array<i32>} : memref<512x64xf32, #tpu.memory_space<vmem>>, vector<16xf32>,
      %neg3A_730 = arith.constant 0.000000e+00 : f32
      %neg3A_731 = vector.broadcast %neg3A_730 : f32 to vector<16xf32>
      %neg3A_732 = arith.subf %neg3A_731, %get3A_729 : vector<16xf32>
      %exp3A_733 = math.exp %neg3A_732 : vector<16xf32>
      %add3A_734 = arith.constant 1.000000e+00 : f32
      %add3A_735 = vector.broadcast %add3A_734 : f32 to vector<16xf32>
      %add3A_736 = arith.addf %add3A_735, %exp3A_733 : vector<16xf32>
      %div3A_737 = arith.constant 1.000000e+00 : f32
      %div3A_738 = vector.broadcast %div3A_737 : f32 to vector<16xf32>
      %div3A_739 = arith.divf %div3A_738, %add3A_736 : vector<16xf32>
      %mul3A_740 = arith.mulf %div3A_739, %get3A_726 : vector<16xf32>
      %get3A_741 = arith.index_cast %add3A_723 : i32 to index
      %get3A_742 = arith.constant 16 : index
      %get3A_743 = tpu.vector_load %arg13[%get3A_741, %get3A_742] {strides = array<i32>} : memref<512x64xf32, #tpu.memory_space<vmem>>, vector<16xf32>,
      %get3A_744 = arith.index_cast %add3A_723 : i32 to index
      %get3A_745 = arith.constant 16 : index
      %get3A_746 = tpu.vector_load %arg14[%get3A_744, %get3A_745] {strides = array<i32>} : memref<512x64xf32, #tpu.memory_space<vmem>>, vector<16xf32>,
      %neg3A_747 = arith.constant 0.000000e+00 : f32
      %neg3A_748 = vector.broadcast %neg3A_747 : f32 to vector<16xf32>
      %neg3A_749 = arith.subf %neg3A_748, %get3A_746 : vector<16xf32>
      %exp3A_750 = math.exp %neg3A_749 : vector<16xf32>
      %add3A_751 = arith.constant 1.000000e+00 : f32
      %add3A_752 = vector.broadcast %add3A_751 : f32 to vector<16xf32>
      %add3A_753 = arith.addf %add3A_752, %exp3A_750 : vector<16xf32>
      %div3A_754 = arith.constant 1.000000e+00 : f32
      %div3A_755 = vector.broadcast %div3A_754 : f32 to vector<16xf32>
      %div3A_756 = arith.divf %div3A_755, %add3A_753 : vector<16xf32>
      %mul3A_757 = arith.mulf %div3A_756, %get3A_743 : vector<16xf32>
      %add3A_758 = arith.addf %mul3A_740, %mul3A_757 : vector<16xf32>
      %get3A_759 = arith.index_cast %add3A_723 : i32 to index
      %get3A_760 = arith.constant 32 : index
      %get3A_761 = tpu.vector_load %arg13[%get3A_759, %get3A_760] {strides = array<i32>} : memref<512x64xf32, #tpu.memory_space<vmem>>, vector<16xf32>,
      %get3A_762 = arith.index_cast %add3A_723 : i32 to index
      %get3A_763 = arith.constant 32 : index
      %get3A_764 = tpu.vector_load %arg14[%get3A_762, %get3A_763] {strides = array<i32>} : memref<512x64xf32, #tpu.memory_space<vmem>>, vector<16xf32>,
      %neg3A_765 = arith.constant 0.000000e+00 : f32
      %neg3A_766 = vector.broadcast %neg3A_765 : f32 to vector<16xf32>
      %neg3A_767 = arith.subf %neg3A_766, %get3A_764 : vector<16xf32>
      %exp3A_768 = math.exp %neg3A_767 : vector<16xf32>
      %add3A_769 = arith.constant 1.000000e+00 : f32
      %add3A_770 = vector.broadcast %add3A_769 : f32 to vector<16xf32>
      %add3A_771 = arith.addf %add3A_770, %exp3A_768 : vector<16xf32>
      %div3A_772 = arith.constant 1.000000e+00 : f32
      %div3A_773 = vector.broadcast %div3A_772 : f32 to vector<16xf32>
      %div3A_774 = arith.divf %div3A_773, %add3A_771 : vector<16xf32>
      %mul3A_775 = arith.mulf %div3A_774, %get3A_761 : vector<16xf32>
      %add3A_776 = arith.addf %add3A_758, %mul3A_775 : vector<16xf32>
      %get3A_777 = arith.index_cast %add3A_723 : i32 to index
      %get3A_778 = arith.constant 48 : index
      %get3A_779 = tpu.vector_load %arg13[%get3A_777, %get3A_778] {strides = array<i32>} : memref<512x64xf32, #tpu.memory_space<vmem>>, vector<16xf32>,
      %get3A_780 = arith.index_cast %add3A_723 : i32 to index
      %get3A_781 = arith.constant 48 : index
      %get3A_782 = tpu.vector_load %arg14[%get3A_780, %get3A_781] {strides = array<i32>} : memref<512x64xf32, #tpu.memory_space<vmem>>, vector<16xf32>,
      %neg3A_783 = arith.constant 0.000000e+00 : f32
      %neg3A_784 = vector.broadcast %neg3A_783 : f32 to vector<16xf32>
      %neg3A_785 = arith.subf %neg3A_784, %get3A_782 : vector<16xf32>
      %exp3A_786 = math.exp %neg3A_785 : vector<16xf32>
      %add3A_787 = arith.constant 1.000000e+00 : f32
      %add3A_788 = vector.broadcast %add3A_787 : f32 to vector<16xf32>
      %add3A_789 = arith.addf %add3A_788, %exp3A_786 : vector<16xf32>
      %div3A_790 = arith.constant 1.000000e+00 : f32
      %div3A_791 = vector.broadcast %div3A_790 : f32 to vector<16xf32>
      %div3A_792 = arith.divf %div3A_791, %add3A_789 : vector<16xf32>
      %mul3A_793 = arith.mulf %div3A_792, %get3A_779 : vector<16xf32>
      %add3A_794 = arith.addf %add3A_776, %mul3A_793 : vector<16xf32>
      %swap3A_795 = arith.constant 96 : index
      %swap3A_796 = tpu.vector_load %arg18[%swap3A_795] {strides = array<i32>} : memref<256xf32, #tpu.memory_space<vmem>>, vector<16xf32>,
      tpu.vector_store %arg18[%swap3A_795], %add3A_794 {strides = array<i32>} : memref<256xf32, #tpu.memory_space<vmem>>, vector<16xf32>,
      %mul3A_797 = arith.constant 16 : i32
      %mul3A_798 = arith.muli %scan3A_260, %mul3A_797 : i32
      %add3A_799 = arith.constant 7 : i32
      %add3A_800 = arith.addi %mul3A_798, %add3A_799 : i32
      %get3A_801 = arith.index_cast %add3A_800 : i32 to index
      %get3A_802 = arith.constant 0 : index
      %get3A_803 = tpu.vector_load %arg13[%get3A_801, %get3A_802] {strides = array<i32>} : memref<512x64xf32, #tpu.memory_space<vmem>>, vector<16xf32>,
      %get3A_804 = arith.index_cast %add3A_800 : i32 to index
      %get3A_805 = arith.constant 0 : index
      %get3A_806 = tpu.vector_load %arg14[%get3A_804, %get3A_805] {strides = array<i32>} : memref<512x64xf32, #tpu.memory_space<vmem>>, vector<16xf32>,
      %neg3A_807 = arith.constant 0.000000e+00 : f32
      %neg3A_808 = vector.broadcast %neg3A_807 : f32 to vector<16xf32>
      %neg3A_809 = arith.subf %neg3A_808, %get3A_806 : vector<16xf32>
      %exp3A_810 = math.exp %neg3A_809 : vector<16xf32>
      %add3A_811 = arith.constant 1.000000e+00 : f32
      %add3A_812 = vector.broadcast %add3A_811 : f32 to vector<16xf32>
      %add3A_813 = arith.addf %add3A_812, %exp3A_810 : vector<16xf32>
      %div3A_814 = arith.constant 1.000000e+00 : f32
      %div3A_815 = vector.broadcast %div3A_814 : f32 to vector<16xf32>
      %div3A_816 = arith.divf %div3A_815, %add3A_813 : vector<16xf32>
      %mul3A_817 = arith.mulf %div3A_816, %get3A_803 : vector<16xf32>
      %get3A_818 = arith.index_cast %add3A_800 : i32 to index
      %get3A_819 = arith.constant 16 : index
      %get3A_820 = tpu.vector_load %arg13[%get3A_818, %get3A_819] {strides = array<i32>} : memref<512x64xf32, #tpu.memory_space<vmem>>, vector<16xf32>,
      %get3A_821 = arith.index_cast %add3A_800 : i32 to index
      %get3A_822 = arith.constant 16 : index
      %get3A_823 = tpu.vector_load %arg14[%get3A_821, %get3A_822] {strides = array<i32>} : memref<512x64xf32, #tpu.memory_space<vmem>>, vector<16xf32>,
      %neg3A_824 = arith.constant 0.000000e+00 : f32
      %neg3A_825 = vector.broadcast %neg3A_824 : f32 to vector<16xf32>
      %neg3A_826 = arith.subf %neg3A_825, %get3A_823 : vector<16xf32>
      %exp3A_827 = math.exp %neg3A_826 : vector<16xf32>
      %add3A_828 = arith.constant 1.000000e+00 : f32
      %add3A_829 = vector.broadcast %add3A_828 : f32 to vector<16xf32>
      %add3A_830 = arith.addf %add3A_829, %exp3A_827 : vector<16xf32>
      %div3A_831 = arith.constant 1.000000e+00 : f32
      %div3A_832 = vector.broadcast %div3A_831 : f32 to vector<16xf32>
      %div3A_833 = arith.divf %div3A_832, %add3A_830 : vector<16xf32>
      %mul3A_834 = arith.mulf %div3A_833, %get3A_820 : vector<16xf32>
      %add3A_835 = arith.addf %mul3A_817, %mul3A_834 : vector<16xf32>
      %get3A_836 = arith.index_cast %add3A_800 : i32 to index
      %get3A_837 = arith.constant 32 : index
      %get3A_838 = tpu.vector_load %arg13[%get3A_836, %get3A_837] {strides = array<i32>} : memref<512x64xf32, #tpu.memory_space<vmem>>, vector<16xf32>,
      %get3A_839 = arith.index_cast %add3A_800 : i32 to index
      %get3A_840 = arith.constant 32 : index
      %get3A_841 = tpu.vector_load %arg14[%get3A_839, %get3A_840] {strides = array<i32>} : memref<512x64xf32, #tpu.memory_space<vmem>>, vector<16xf32>,
      %neg3A_842 = arith.constant 0.000000e+00 : f32
      %neg3A_843 = vector.broadcast %neg3A_842 : f32 to vector<16xf32>
      %neg3A_844 = arith.subf %neg3A_843, %get3A_841 : vector<16xf32>
      %exp3A_845 = math.exp %neg3A_844 : vector<16xf32>
      %add3A_846 = arith.constant 1.000000e+00 : f32
      %add3A_847 = vector.broadcast %add3A_846 : f32 to vector<16xf32>
      %add3A_848 = arith.addf %add3A_847, %exp3A_845 : vector<16xf32>
      %div3A_849 = arith.constant 1.000000e+00 : f32
      %div3A_850 = vector.broadcast %div3A_849 : f32 to vector<16xf32>
      %div3A_851 = arith.divf %div3A_850, %add3A_848 : vector<16xf32>
      %mul3A_852 = arith.mulf %div3A_851, %get3A_838 : vector<16xf32>
      %add3A_853 = arith.addf %add3A_835, %mul3A_852 : vector<16xf32>
      %get3A_854 = arith.index_cast %add3A_800 : i32 to index
      %get3A_855 = arith.constant 48 : index
      %get3A_856 = tpu.vector_load %arg13[%get3A_854, %get3A_855] {strides = array<i32>} : memref<512x64xf32, #tpu.memory_space<vmem>>, vector<16xf32>,
      %get3A_857 = arith.index_cast %add3A_800 : i32 to index
      %get3A_858 = arith.constant 48 : index
      %get3A_859 = tpu.vector_load %arg14[%get3A_857, %get3A_858] {strides = array<i32>} : memref<512x64xf32, #tpu.memory_space<vmem>>, vector<16xf32>,
      %neg3A_860 = arith.constant 0.000000e+00 : f32
      %neg3A_861 = vector.broadcast %neg3A_860 : f32 to vector<16xf32>
      %neg3A_862 = arith.subf %neg3A_861, %get3A_859 : vector<16xf32>
      %exp3A_863 = math.exp %neg3A_862 : vector<16xf32>
      %add3A_864 = arith.constant 1.000000e+00 : f32
      %add3A_865 = vector.broadcast %add3A_864 : f32 to vector<16xf32>
      %add3A_866 = arith.addf %add3A_865, %exp3A_863 : vector<16xf32>
      %div3A_867 = arith.constant 1.000000e+00 : f32
      %div3A_868 = vector.broadcast %div3A_867 : f32 to vector<16xf32>
      %div3A_869 = arith.divf %div3A_868, %add3A_866 : vector<16xf32>
      %mul3A_870 = arith.mulf %div3A_869, %get3A_856 : vector<16xf32>
      %add3A_871 = arith.addf %add3A_853, %mul3A_870 : vector<16xf32>
      %swap3A_872 = arith.constant 112 : index
      %swap3A_873 = tpu.vector_load %arg18[%swap3A_872] {strides = array<i32>} : memref<256xf32, #tpu.memory_space<vmem>>, vector<16xf32>,
      tpu.vector_store %arg18[%swap3A_872], %add3A_871 {strides = array<i32>} : memref<256xf32, #tpu.memory_space<vmem>>, vector<16xf32>,
      %mul3A_874 = arith.constant 16 : i32
      %mul3A_875 = arith.muli %scan3A_260, %mul3A_874 : i32
      %add3A_876 = arith.constant 8 : i32
      %add3A_877 = arith.addi %mul3A_875, %add3A_876 : i32
      %get3A_878 = arith.index_cast %add3A_877 : i32 to index
      %get3A_879 = arith.constant 0 : index
      %get3A_880 = tpu.vector_load %arg13[%get3A_878, %get3A_879] {strides = array<i32>} : memref<512x64xf32, #tpu.memory_space<vmem>>, vector<16xf32>,
      %get3A_881 = arith.index_cast %add3A_877 : i32 to index
      %get3A_882 = arith.constant 0 : index
      %get3A_883 = tpu.vector_load %arg14[%get3A_881, %get3A_882] {strides = array<i32>} : memref<512x64xf32, #tpu.memory_space<vmem>>, vector<16xf32>,
      %neg3A_884 = arith.constant 0.000000e+00 : f32
      %neg3A_885 = vector.broadcast %neg3A_884 : f32 to vector<16xf32>
      %neg3A_886 = arith.subf %neg3A_885, %get3A_883 : vector<16xf32>
      %exp3A_887 = math.exp %neg3A_886 : vector<16xf32>
      %add3A_888 = arith.constant 1.000000e+00 : f32
      %add3A_889 = vector.broadcast %add3A_888 : f32 to vector<16xf32>
      %add3A_890 = arith.addf %add3A_889, %exp3A_887 : vector<16xf32>
      %div3A_891 = arith.constant 1.000000e+00 : f32
      %div3A_892 = vector.broadcast %div3A_891 : f32 to vector<16xf32>
      %div3A_893 = arith.divf %div3A_892, %add3A_890 : vector<16xf32>
      %mul3A_894 = arith.mulf %div3A_893, %get3A_880 : vector<16xf32>
      %get3A_895 = arith.index_cast %add3A_877 : i32 to index
      %get3A_896 = arith.constant 16 : index
      %get3A_897 = tpu.vector_load %arg13[%get3A_895, %get3A_896] {strides = array<i32>} : memref<512x64xf32, #tpu.memory_space<vmem>>, vector<16xf32>,
      %get3A_898 = arith.index_cast %add3A_877 : i32 to index
      %get3A_899 = arith.constant 16 : index
      %get3A_900 = tpu.vector_load %arg14[%get3A_898, %get3A_899] {strides = array<i32>} : memref<512x64xf32, #tpu.memory_space<vmem>>, vector<16xf32>,
      %neg3A_901 = arith.constant 0.000000e+00 : f32
      %neg3A_902 = vector.broadcast %neg3A_901 : f32 to vector<16xf32>
      %neg3A_903 = arith.subf %neg3A_902, %get3A_900 : vector<16xf32>
      %exp3A_904 = math.exp %neg3A_903 : vector<16xf32>
      %add3A_905 = arith.constant 1.000000e+00 : f32
      %add3A_906 = vector.broadcast %add3A_905 : f32 to vector<16xf32>
      %add3A_907 = arith.addf %add3A_906, %exp3A_904 : vector<16xf32>
      %div3A_908 = arith.constant 1.000000e+00 : f32
      %div3A_909 = vector.broadcast %div3A_908 : f32 to vector<16xf32>
      %div3A_910 = arith.divf %div3A_909, %add3A_907 : vector<16xf32>
      %mul3A_911 = arith.mulf %div3A_910, %get3A_897 : vector<16xf32>
      %add3A_912 = arith.addf %mul3A_894, %mul3A_911 : vector<16xf32>
      %get3A_913 = arith.index_cast %add3A_877 : i32 to index
      %get3A_914 = arith.constant 32 : index
      %get3A_915 = tpu.vector_load %arg13[%get3A_913, %get3A_914] {strides = array<i32>} : memref<512x64xf32, #tpu.memory_space<vmem>>, vector<16xf32>,
      %get3A_916 = arith.index_cast %add3A_877 : i32 to index
      %get3A_917 = arith.constant 32 : index
      %get3A_918 = tpu.vector_load %arg14[%get3A_916, %get3A_917] {strides = array<i32>} : memref<512x64xf32, #tpu.memory_space<vmem>>, vector<16xf32>,
      %neg3A_919 = arith.constant 0.000000e+00 : f32
      %neg3A_920 = vector.broadcast %neg3A_919 : f32 to vector<16xf32>
      %neg3A_921 = arith.subf %neg3A_920, %get3A_918 : vector<16xf32>
      %exp3A_922 = math.exp %neg3A_921 : vector<16xf32>
      %add3A_923 = arith.constant 1.000000e+00 : f32
      %add3A_924 = vector.broadcast %add3A_923 : f32 to vector<16xf32>
      %add3A_925 = arith.addf %add3A_924, %exp3A_922 : vector<16xf32>
      %div3A_926 = arith.constant 1.000000e+00 : f32
      %div3A_927 = vector.broadcast %div3A_926 : f32 to vector<16xf32>
      %div3A_928 = arith.divf %div3A_927, %add3A_925 : vector<16xf32>
      %mul3A_929 = arith.mulf %div3A_928, %get3A_915 : vector<16xf32>
      %add3A_930 = arith.addf %add3A_912, %mul3A_929 : vector<16xf32>
      %get3A_931 = arith.index_cast %add3A_877 : i32 to index
      %get3A_932 = arith.constant 48 : index
      %get3A_933 = tpu.vector_load %arg13[%get3A_931, %get3A_932] {strides = array<i32>} : memref<512x64xf32, #tpu.memory_space<vmem>>, vector<16xf32>,
      %get3A_934 = arith.index_cast %add3A_877 : i32 to index
      %get3A_935 = arith.constant 48 : index
      %get3A_936 = tpu.vector_load %arg14[%get3A_934, %get3A_935] {strides = array<i32>} : memref<512x64xf32, #tpu.memory_space<vmem>>, vector<16xf32>,
      %neg3A_937 = arith.constant 0.000000e+00 : f32
      %neg3A_938 = vector.broadcast %neg3A_937 : f32 to vector<16xf32>
      %neg3A_939 = arith.subf %neg3A_938, %get3A_936 : vector<16xf32>
      %exp3A_940 = math.exp %neg3A_939 : vector<16xf32>
      %add3A_941 = arith.constant 1.000000e+00 : f32
      %add3A_942 = vector.broadcast %add3A_941 : f32 to vector<16xf32>
      %add3A_943 = arith.addf %add3A_942, %exp3A_940 : vector<16xf32>
      %div3A_944 = arith.constant 1.000000e+00 : f32
      %div3A_945 = vector.broadcast %div3A_944 : f32 to vector<16xf32>
      %div3A_946 = arith.divf %div3A_945, %add3A_943 : vector<16xf32>
      %mul3A_947 = arith.mulf %div3A_946, %get3A_933 : vector<16xf32>
      %add3A_948 = arith.addf %add3A_930, %mul3A_947 : vector<16xf32>
      %swap3A_949 = arith.constant 128 : index
      %swap3A_950 = tpu.vector_load %arg18[%swap3A_949] {strides = array<i32>} : memref<256xf32, #tpu.memory_space<vmem>>, vector<16xf32>,
      tpu.vector_store %arg18[%swap3A_949], %add3A_948 {strides = array<i32>} : memref<256xf32, #tpu.memory_space<vmem>>, vector<16xf32>,
      %mul3A_951 = arith.constant 16 : i32
      %mul3A_952 = arith.muli %scan3A_260, %mul3A_951 : i32
      %add3A_953 = arith.constant 9 : i32
      %add3A_954 = arith.addi %mul3A_952, %add3A_953 : i32
      %get3A_955 = arith.index_cast %add3A_954 : i32 to index
      %get3A_956 = arith.constant 0 : index
      %get3A_957 = tpu.vector_load %arg13[%get3A_955, %get3A_956] {strides = array<i32>} : memref<512x64xf32, #tpu.memory_space<vmem>>, vector<16xf32>,
      %get3A_958 = arith.index_cast %add3A_954 : i32 to index
      %get3A_959 = arith.constant 0 : index
      %get3A_960 = tpu.vector_load %arg14[%get3A_958, %get3A_959] {strides = array<i32>} : memref<512x64xf32, #tpu.memory_space<vmem>>, vector<16xf32>,
      %neg3A_961 = arith.constant 0.000000e+00 : f32
      %neg3A_962 = vector.broadcast %neg3A_961 : f32 to vector<16xf32>
      %neg3A_963 = arith.subf %neg3A_962, %get3A_960 : vector<16xf32>
      %exp3A_964 = math.exp %neg3A_963 : vector<16xf32>
      %add3A_965 = arith.constant 1.000000e+00 : f32
      %add3A_966 = vector.broadcast %add3A_965 : f32 to vector<16xf32>
      %add3A_967 = arith.addf %add3A_966, %exp3A_964 : vector<16xf32>
      %div3A_968 = arith.constant 1.000000e+00 : f32
      %div3A_969 = vector.broadcast %div3A_968 : f32 to vector<16xf32>
      %div3A_970 = arith.divf %div3A_969, %add3A_967 : vector<16xf32>
      %mul3A_971 = arith.mulf %div3A_970, %get3A_957 : vector<16xf32>
      %get3A_972 = arith.index_cast %add3A_954 : i32 to index
      %get3A_973 = arith.constant 16 : index
      %get3A_974 = tpu.vector_load %arg13[%get3A_972, %get3A_973] {strides = array<i32>} : memref<512x64xf32, #tpu.memory_space<vmem>>, vector<16xf32>,
      %get3A_975 = arith.index_cast %add3A_954 : i32 to index
      %get3A_976 = arith.constant 16 : index
      %get3A_977 = tpu.vector_load %arg14[%get3A_975, %get3A_976] {strides = array<i32>} : memref<512x64xf32, #tpu.memory_space<vmem>>, vector<16xf32>,
      %neg3A_978 = arith.constant 0.000000e+00 : f32
      %neg3A_979 = vector.broadcast %neg3A_978 : f32 to vector<16xf32>
      %neg3A_980 = arith.subf %neg3A_979, %get3A_977 : vector<16xf32>
      %exp3A_981 = math.exp %neg3A_980 : vector<16xf32>
      %add3A_982 = arith.constant 1.000000e+00 : f32
      %add3A_983 = vector.broadcast %add3A_982 : f32 to vector<16xf32>
      %add3A_984 = arith.addf %add3A_983, %exp3A_981 : vector<16xf32>
      %div3A_985 = arith.constant 1.000000e+00 : f32
      %div3A_986 = vector.broadcast %div3A_985 : f32 to vector<16xf32>
      %div3A_987 = arith.divf %div3A_986, %add3A_984 : vector<16xf32>
      %mul3A_988 = arith.mulf %div3A_987, %get3A_974 : vector<16xf32>
      %add3A_989 = arith.addf %mul3A_971, %mul3A_988 : vector<16xf32>
      %get3A_990 = arith.index_cast %add3A_954 : i32 to index
      %get3A_991 = arith.constant 32 : index
      %get3A_992 = tpu.vector_load %arg13[%get3A_990, %get3A_991] {strides = array<i32>} : memref<512x64xf32, #tpu.memory_space<vmem>>, vector<16xf32>,
      %get3A_993 = arith.index_cast %add3A_954 : i32 to index
      %get3A_994 = arith.constant 32 : index
      %get3A_995 = tpu.vector_load %arg14[%get3A_993, %get3A_994] {strides = array<i32>} : memref<512x64xf32, #tpu.memory_space<vmem>>, vector<16xf32>,
      %neg3A_996 = arith.constant 0.000000e+00 : f32
      %neg3A_997 = vector.broadcast %neg3A_996 : f32 to vector<16xf32>
      %neg3A_998 = arith.subf %neg3A_997, %get3A_995 : vector<16xf32>
      %exp3A_999 = math.exp %neg3A_998 : vector<16xf32>
      %add3A_1000 = arith.constant 1.000000e+00 : f32
      %add3A_1001 = vector.broadcast %add3A_1000 : f32 to vector<16xf32>
      %add3A_1002 = arith.addf %add3A_1001, %exp3A_999 : vector<16xf32>
      %div3A_1003 = arith.constant 1.000000e+00 : f32
      %div3A_1004 = vector.broadcast %div3A_1003 : f32 to vector<16xf32>
      %div3A_1005 = arith.divf %div3A_1004, %add3A_1002 : vector<16xf32>
      %mul3A_1006 = arith.mulf %div3A_1005, %get3A_992 : vector<16xf32>
      %add3A_1007 = arith.addf %add3A_989, %mul3A_1006 : vector<16xf32>
      %get3A_1008 = arith.index_cast %add3A_954 : i32 to index
      %get3A_1009 = arith.constant 48 : index
      %get3A_1010 = tpu.vector_load %arg13[%get3A_1008, %get3A_1009] {strides = array<i32>} : memref<512x64xf32, #tpu.memory_space<vmem>>, vector<16xf32>,
      %get3A_1011 = arith.index_cast %add3A_954 : i32 to index
      %get3A_1012 = arith.constant 48 : index
      %get3A_1013 = tpu.vector_load %arg14[%get3A_1011, %get3A_1012] {strides = array<i32>} : memref<512x64xf32, #tpu.memory_space<vmem>>, vector<16xf32>,
      %neg3A_1014 = arith.constant 0.000000e+00 : f32
      %neg3A_1015 = vector.broadcast %neg3A_1014 : f32 to vector<16xf32>
      %neg3A_1016 = arith.subf %neg3A_1015, %get3A_1013 : vector<16xf32>
      %exp3A_1017 = math.exp %neg3A_1016 : vector<16xf32>
      %add3A_1018 = arith.constant 1.000000e+00 : f32
      %add3A_1019 = vector.broadcast %add3A_1018 : f32 to vector<16xf32>
      %add3A_1020 = arith.addf %add3A_1019, %exp3A_1017 : vector<16xf32>
      %div3A_1021 = arith.constant 1.000000e+00 : f32
      %div3A_1022 = vector.broadcast %div3A_1021 : f32 to vector<16xf32>
      %div3A_1023 = arith.divf %div3A_1022, %add3A_1020 : vector<16xf32>
      %mul3A_1024 = arith.mulf %div3A_1023, %get3A_1010 : vector<16xf32>
      %add3A_1025 = arith.addf %add3A_1007, %mul3A_1024 : vector<16xf32>
      %swap3A_1026 = arith.constant 144 : index
      %swap3A_1027 = tpu.vector_load %arg18[%swap3A_1026] {strides = array<i32>} : memref<256xf32, #tpu.memory_space<vmem>>, vector<16xf32>,
      tpu.vector_store %arg18[%swap3A_1026], %add3A_1025 {strides = array<i32>} : memref<256xf32, #tpu.memory_space<vmem>>, vector<16xf32>,
      %mul3A_1028 = arith.constant 16 : i32
      %mul3A_1029 = arith.muli %scan3A_260, %mul3A_1028 : i32
      %add3A_1030 = arith.constant 10 : i32
      %add3A_1031 = arith.addi %mul3A_1029, %add3A_1030 : i32
      %get3A_1032 = arith.index_cast %add3A_1031 : i32 to index
      %get3A_1033 = arith.constant 0 : index
      %get3A_1034 = tpu.vector_load %arg13[%get3A_1032, %get3A_1033] {strides = array<i32>} : memref<512x64xf32, #tpu.memory_space<vmem>>, vector<16xf32>,
      %get3A_1035 = arith.index_cast %add3A_1031 : i32 to index
      %get3A_1036 = arith.constant 0 : index
      %get3A_1037 = tpu.vector_load %arg14[%get3A_1035, %get3A_1036] {strides = array<i32>} : memref<512x64xf32, #tpu.memory_space<vmem>>, vector<16xf32>,
      %neg3A_1038 = arith.constant 0.000000e+00 : f32
      %neg3A_1039 = vector.broadcast %neg3A_1038 : f32 to vector<16xf32>
      %neg3A_1040 = arith.subf %neg3A_1039, %get3A_1037 : vector<16xf32>
      %exp3A_1041 = math.exp %neg3A_1040 : vector<16xf32>
      %add3A_1042 = arith.constant 1.000000e+00 : f32
      %add3A_1043 = vector.broadcast %add3A_1042 : f32 to vector<16xf32>
      %add3A_1044 = arith.addf %add3A_1043, %exp3A_1041 : vector<16xf32>
      %div3A_1045 = arith.constant 1.000000e+00 : f32
      %div3A_1046 = vector.broadcast %div3A_1045 : f32 to vector<16xf32>
      %div3A_1047 = arith.divf %div3A_1046, %add3A_1044 : vector<16xf32>
      %mul3A_1048 = arith.mulf %div3A_1047, %get3A_1034 : vector<16xf32>
      %get3A_1049 = arith.index_cast %add3A_1031 : i32 to index
      %get3A_1050 = arith.constant 16 : index
      %get3A_1051 = tpu.vector_load %arg13[%get3A_1049, %get3A_1050] {strides = array<i32>} : memref<512x64xf32, #tpu.memory_space<vmem>>, vector<16xf32>,
      %get3A_1052 = arith.index_cast %add3A_1031 : i32 to index
      %get3A_1053 = arith.constant 16 : index
      %get3A_1054 = tpu.vector_load %arg14[%get3A_1052, %get3A_1053] {strides = array<i32>} : memref<512x64xf32, #tpu.memory_space<vmem>>, vector<16xf32>,
      %neg3A_1055 = arith.constant 0.000000e+00 : f32
      %neg3A_1056 = vector.broadcast %neg3A_1055 : f32 to vector<16xf32>
      %neg3A_1057 = arith.subf %neg3A_1056, %get3A_1054 : vector<16xf32>
      %exp3A_1058 = math.exp %neg3A_1057 : vector<16xf32>
      %add3A_1059 = arith.constant 1.000000e+00 : f32
      %add3A_1060 = vector.broadcast %add3A_1059 : f32 to vector<16xf32>
      %add3A_1061 = arith.addf %add3A_1060, %exp3A_1058 : vector<16xf32>
      %div3A_1062 = arith.constant 1.000000e+00 : f32
      %div3A_1063 = vector.broadcast %div3A_1062 : f32 to vector<16xf32>
      %div3A_1064 = arith.divf %div3A_1063, %add3A_1061 : vector<16xf32>
      %mul3A_1065 = arith.mulf %div3A_1064, %get3A_1051 : vector<16xf32>
      %add3A_1066 = arith.addf %mul3A_1048, %mul3A_1065 : vector<16xf32>
      %get3A_1067 = arith.index_cast %add3A_1031 : i32 to index
      %get3A_1068 = arith.constant 32 : index
      %get3A_1069 = tpu.vector_load %arg13[%get3A_1067, %get3A_1068] {strides = array<i32>} : memref<512x64xf32, #tpu.memory_space<vmem>>, vector<16xf32>,
      %get3A_1070 = arith.index_cast %add3A_1031 : i32 to index
      %get3A_1071 = arith.constant 32 : index
      %get3A_1072 = tpu.vector_load %arg14[%get3A_1070, %get3A_1071] {strides = array<i32>} : memref<512x64xf32, #tpu.memory_space<vmem>>, vector<16xf32>,
      %neg3A_1073 = arith.constant 0.000000e+00 : f32
      %neg3A_1074 = vector.broadcast %neg3A_1073 : f32 to vector<16xf32>
      %neg3A_1075 = arith.subf %neg3A_1074, %get3A_1072 : vector<16xf32>
      %exp3A_1076 = math.exp %neg3A_1075 : vector<16xf32>
      %add3A_1077 = arith.constant 1.000000e+00 : f32
      %add3A_1078 = vector.broadcast %add3A_1077 : f32 to vector<16xf32>
      %add3A_1079 = arith.addf %add3A_1078, %exp3A_1076 : vector<16xf32>
      %div3A_1080 = arith.constant 1.000000e+00 : f32
      %div3A_1081 = vector.broadcast %div3A_1080 : f32 to vector<16xf32>
      %div3A_1082 = arith.divf %div3A_1081, %add3A_1079 : vector<16xf32>
      %mul3A_1083 = arith.mulf %div3A_1082, %get3A_1069 : vector<16xf32>
      %add3A_1084 = arith.addf %add3A_1066, %mul3A_1083 : vector<16xf32>
      %get3A_1085 = arith.index_cast %add3A_1031 : i32 to index
      %get3A_1086 = arith.constant 48 : index
      %get3A_1087 = tpu.vector_load %arg13[%get3A_1085, %get3A_1086] {strides = array<i32>} : memref<512x64xf32, #tpu.memory_space<vmem>>, vector<16xf32>,
      %get3A_1088 = arith.index_cast %add3A_1031 : i32 to index
      %get3A_1089 = arith.constant 48 : index
      %get3A_1090 = tpu.vector_load %arg14[%get3A_1088, %get3A_1089] {strides = array<i32>} : memref<512x64xf32, #tpu.memory_space<vmem>>, vector<16xf32>,
      %neg3A_1091 = arith.constant 0.000000e+00 : f32
      %neg3A_1092 = vector.broadcast %neg3A_1091 : f32 to vector<16xf32>
      %neg3A_1093 = arith.subf %neg3A_1092, %get3A_1090 : vector<16xf32>
      %exp3A_1094 = math.exp %neg3A_1093 : vector<16xf32>
      %add3A_1095 = arith.constant 1.000000e+00 : f32
      %add3A_1096 = vector.broadcast %add3A_1095 : f32 to vector<16xf32>
      %add3A_1097 = arith.addf %add3A_1096, %exp3A_1094 : vector<16xf32>
      %div3A_1098 = arith.constant 1.000000e+00 : f32
      %div3A_1099 = vector.broadcast %div3A_1098 : f32 to vector<16xf32>
      %div3A_1100 = arith.divf %div3A_1099, %add3A_1097 : vector<16xf32>
      %mul3A_1101 = arith.mulf %div3A_1100, %get3A_1087 : vector<16xf32>
      %add3A_1102 = arith.addf %add3A_1084, %mul3A_1101 : vector<16xf32>
      %swap3A_1103 = arith.constant 160 : index
      %swap3A_1104 = tpu.vector_load %arg18[%swap3A_1103] {strides = array<i32>} : memref<256xf32, #tpu.memory_space<vmem>>, vector<16xf32>,
      tpu.vector_store %arg18[%swap3A_1103], %add3A_1102 {strides = array<i32>} : memref<256xf32, #tpu.memory_space<vmem>>, vector<16xf32>,
      %mul3A_1105 = arith.constant 16 : i32
      %mul3A_1106 = arith.muli %scan3A_260, %mul3A_1105 : i32
      %add3A_1107 = arith.constant 11 : i32
      %add3A_1108 = arith.addi %mul3A_1106, %add3A_1107 : i32
      %get3A_1109 = arith.index_cast %add3A_1108 : i32 to index
      %get3A_1110 = arith.constant 0 : index
      %get3A_1111 = tpu.vector_load %arg13[%get3A_1109, %get3A_1110] {strides = array<i32>} : memref<512x64xf32, #tpu.memory_space<vmem>>, vector<16xf32>,
      %get3A_1112 = arith.index_cast %add3A_1108 : i32 to index
      %get3A_1113 = arith.constant 0 : index
      %get3A_1114 = tpu.vector_load %arg14[%get3A_1112, %get3A_1113] {strides = array<i32>} : memref<512x64xf32, #tpu.memory_space<vmem>>, vector<16xf32>,
      %neg3A_1115 = arith.constant 0.000000e+00 : f32
      %neg3A_1116 = vector.broadcast %neg3A_1115 : f32 to vector<16xf32>
      %neg3A_1117 = arith.subf %neg3A_1116, %get3A_1114 : vector<16xf32>
      %exp3A_1118 = math.exp %neg3A_1117 : vector<16xf32>
      %add3A_1119 = arith.constant 1.000000e+00 : f32
      %add3A_1120 = vector.broadcast %add3A_1119 : f32 to vector<16xf32>
      %add3A_1121 = arith.addf %add3A_1120, %exp3A_1118 : vector<16xf32>
      %div3A_1122 = arith.constant 1.000000e+00 : f32
      %div3A_1123 = vector.broadcast %div3A_1122 : f32 to vector<16xf32>
      %div3A_1124 = arith.divf %div3A_1123, %add3A_1121 : vector<16xf32>
      %mul3A_1125 = arith.mulf %div3A_1124, %get3A_1111 : vector<16xf32>
      %get3A_1126 = arith.index_cast %add3A_1108 : i32 to index
      %get3A_1127 = arith.constant 16 : index
      %get3A_1128 = tpu.vector_load %arg13[%get3A_1126, %get3A_1127] {strides = array<i32>} : memref<512x64xf32, #tpu.memory_space<vmem>>, vector<16xf32>,
      %get3A_1129 = arith.index_cast %add3A_1108 : i32 to index
      %get3A_1130 = arith.constant 16 : index
      %get3A_1131 = tpu.vector_load %arg14[%get3A_1129, %get3A_1130] {strides = array<i32>} : memref<512x64xf32, #tpu.memory_space<vmem>>, vector<16xf32>,
      %neg3A_1132 = arith.constant 0.000000e+00 : f32
      %neg3A_1133 = vector.broadcast %neg3A_1132 : f32 to vector<16xf32>
      %neg3A_1134 = arith.subf %neg3A_1133, %get3A_1131 : vector<16xf32>
      %exp3A_1135 = math.exp %neg3A_1134 : vector<16xf32>
      %add3A_1136 = arith.constant 1.000000e+00 : f32
      %add3A_1137 = vector.broadcast %add3A_1136 : f32 to vector<16xf32>
      %add3A_1138 = arith.addf %add3A_1137, %exp3A_1135 : vector<16xf32>
      %div3A_1139 = arith.constant 1.000000e+00 : f32
      %div3A_1140 = vector.broadcast %div3A_1139 : f32 to vector<16xf32>
      %div3A_1141 = arith.divf %div3A_1140, %add3A_1138 : vector<16xf32>
      %mul3A_1142 = arith.mulf %div3A_1141, %get3A_1128 : vector<16xf32>
      %add3A_1143 = arith.addf %mul3A_1125, %mul3A_1142 : vector<16xf32>
      %get3A_1144 = arith.index_cast %add3A_1108 : i32 to index
      %get3A_1145 = arith.constant 32 : index
      %get3A_1146 = tpu.vector_load %arg13[%get3A_1144, %get3A_1145] {strides = array<i32>} : memref<512x64xf32, #tpu.memory_space<vmem>>, vector<16xf32>,
      %get3A_1147 = arith.index_cast %add3A_1108 : i32 to index
      %get3A_1148 = arith.constant 32 : index
      %get3A_1149 = tpu.vector_load %arg14[%get3A_1147, %get3A_1148] {strides = array<i32>} : memref<512x64xf32, #tpu.memory_space<vmem>>, vector<16xf32>,
      %neg3A_1150 = arith.constant 0.000000e+00 : f32
      %neg3A_1151 = vector.broadcast %neg3A_1150 : f32 to vector<16xf32>
      %neg3A_1152 = arith.subf %neg3A_1151, %get3A_1149 : vector<16xf32>
      %exp3A_1153 = math.exp %neg3A_1152 : vector<16xf32>
      %add3A_1154 = arith.constant 1.000000e+00 : f32
      %add3A_1155 = vector.broadcast %add3A_1154 : f32 to vector<16xf32>
      %add3A_1156 = arith.addf %add3A_1155, %exp3A_1153 : vector<16xf32>
      %div3A_1157 = arith.constant 1.000000e+00 : f32
      %div3A_1158 = vector.broadcast %div3A_1157 : f32 to vector<16xf32>
      %div3A_1159 = arith.divf %div3A_1158, %add3A_1156 : vector<16xf32>
      %mul3A_1160 = arith.mulf %div3A_1159, %get3A_1146 : vector<16xf32>
      %add3A_1161 = arith.addf %add3A_1143, %mul3A_1160 : vector<16xf32>
      %get3A_1162 = arith.index_cast %add3A_1108 : i32 to index
      %get3A_1163 = arith.constant 48 : index
      %get3A_1164 = tpu.vector_load %arg13[%get3A_1162, %get3A_1163] {strides = array<i32>} : memref<512x64xf32, #tpu.memory_space<vmem>>, vector<16xf32>,
      %get3A_1165 = arith.index_cast %add3A_1108 : i32 to index
      %get3A_1166 = arith.constant 48 : index
      %get3A_1167 = tpu.vector_load %arg14[%get3A_1165, %get3A_1166] {strides = array<i32>} : memref<512x64xf32, #tpu.memory_space<vmem>>, vector<16xf32>,
      %neg3A_1168 = arith.constant 0.000000e+00 : f32
      %neg3A_1169 = vector.broadcast %neg3A_1168 : f32 to vector<16xf32>
      %neg3A_1170 = arith.subf %neg3A_1169, %get3A_1167 : vector<16xf32>
      %exp3A_1171 = math.exp %neg3A_1170 : vector<16xf32>
      %add3A_1172 = arith.constant 1.000000e+00 : f32
      %add3A_1173 = vector.broadcast %add3A_1172 : f32 to vector<16xf32>
      %add3A_1174 = arith.addf %add3A_1173, %exp3A_1171 : vector<16xf32>
      %div3A_1175 = arith.constant 1.000000e+00 : f32
      %div3A_1176 = vector.broadcast %div3A_1175 : f32 to vector<16xf32>
      %div3A_1177 = arith.divf %div3A_1176, %add3A_1174 : vector<16xf32>
      %mul3A_1178 = arith.mulf %div3A_1177, %get3A_1164 : vector<16xf32>
      %add3A_1179 = arith.addf %add3A_1161, %mul3A_1178 : vector<16xf32>
      %swap3A_1180 = arith.constant 176 : index
      %swap3A_1181 = tpu.vector_load %arg18[%swap3A_1180] {strides = array<i32>} : memref<256xf32, #tpu.memory_space<vmem>>, vector<16xf32>,
      tpu.vector_store %arg18[%swap3A_1180], %add3A_1179 {strides = array<i32>} : memref<256xf32, #tpu.memory_space<vmem>>, vector<16xf32>,
      %mul3A_1182 = arith.constant 16 : i32
      %mul3A_1183 = arith.muli %scan3A_260, %mul3A_1182 : i32
      %add3A_1184 = arith.constant 12 : i32
      %add3A_1185 = arith.addi %mul3A_1183, %add3A_1184 : i32
      %get3A_1186 = arith.index_cast %add3A_1185 : i32 to index
      %get3A_1187 = arith.constant 0 : index
      %get3A_1188 = tpu.vector_load %arg13[%get3A_1186, %get3A_1187] {strides = array<i32>} : memref<512x64xf32, #tpu.memory_space<vmem>>, vector<16xf32>,
      %get3A_1189 = arith.index_cast %add3A_1185 : i32 to index
      %get3A_1190 = arith.constant 0 : index
      %get3A_1191 = tpu.vector_load %arg14[%get3A_1189, %get3A_1190] {strides = array<i32>} : memref<512x64xf32, #tpu.memory_space<vmem>>, vector<16xf32>,
      %neg3A_1192 = arith.constant 0.000000e+00 : f32
      %neg3A_1193 = vector.broadcast %neg3A_1192 : f32 to vector<16xf32>
      %neg3A_1194 = arith.subf %neg3A_1193, %get3A_1191 : vector<16xf32>
      %exp3A_1195 = math.exp %neg3A_1194 : vector<16xf32>
      %add3A_1196 = arith.constant 1.000000e+00 : f32
      %add3A_1197 = vector.broadcast %add3A_1196 : f32 to vector<16xf32>
      %add3A_1198 = arith.addf %add3A_1197, %exp3A_1195 : vector<16xf32>
      %div3A_1199 = arith.constant 1.000000e+00 : f32
      %div3A_1200 = vector.broadcast %div3A_1199 : f32 to vector<16xf32>
      %div3A_1201 = arith.divf %div3A_1200, %add3A_1198 : vector<16xf32>
      %mul3A_1202 = arith.mulf %div3A_1201, %get3A_1188 : vector<16xf32>
      %get3A_1203 = arith.index_cast %add3A_1185 : i32 to index
      %get3A_1204 = arith.constant 16 : index
      %get3A_1205 = tpu.vector_load %arg13[%get3A_1203, %get3A_1204] {strides = array<i32>} : memref<512x64xf32, #tpu.memory_space<vmem>>, vector<16xf32>,
      %get3A_1206 = arith.index_cast %add3A_1185 : i32 to index
      %get3A_1207 = arith.constant 16 : index
      %get3A_1208 = tpu.vector_load %arg14[%get3A_1206, %get3A_1207] {strides = array<i32>} : memref<512x64xf32, #tpu.memory_space<vmem>>, vector<16xf32>,
      %neg3A_1209 = arith.constant 0.000000e+00 : f32
      %neg3A_1210 = vector.broadcast %neg3A_1209 : f32 to vector<16xf32>
      %neg3A_1211 = arith.subf %neg3A_1210, %get3A_1208 : vector<16xf32>
      %exp3A_1212 = math.exp %neg3A_1211 : vector<16xf32>
      %add3A_1213 = arith.constant 1.000000e+00 : f32
      %add3A_1214 = vector.broadcast %add3A_1213 : f32 to vector<16xf32>
      %add3A_1215 = arith.addf %add3A_1214, %exp3A_1212 : vector<16xf32>
      %div3A_1216 = arith.constant 1.000000e+00 : f32
      %div3A_1217 = vector.broadcast %div3A_1216 : f32 to vector<16xf32>
      %div3A_1218 = arith.divf %div3A_1217, %add3A_1215 : vector<16xf32>
      %mul3A_1219 = arith.mulf %div3A_1218, %get3A_1205 : vector<16xf32>
      %add3A_1220 = arith.addf %mul3A_1202, %mul3A_1219 : vector<16xf32>
      %get3A_1221 = arith.index_cast %add3A_1185 : i32 to index
      %get3A_1222 = arith.constant 32 : index
      %get3A_1223 = tpu.vector_load %arg13[%get3A_1221, %get3A_1222] {strides = array<i32>} : memref<512x64xf32, #tpu.memory_space<vmem>>, vector<16xf32>,
      %get3A_1224 = arith.index_cast %add3A_1185 : i32 to index
      %get3A_1225 = arith.constant 32 : index
      %get3A_1226 = tpu.vector_load %arg14[%get3A_1224, %get3A_1225] {strides = array<i32>} : memref<512x64xf32, #tpu.memory_space<vmem>>, vector<16xf32>,
      %neg3A_1227 = arith.constant 0.000000e+00 : f32
      %neg3A_1228 = vector.broadcast %neg3A_1227 : f32 to vector<16xf32>
      %neg3A_1229 = arith.subf %neg3A_1228, %get3A_1226 : vector<16xf32>
      %exp3A_1230 = math.exp %neg3A_1229 : vector<16xf32>
      %add3A_1231 = arith.constant 1.000000e+00 : f32
      %add3A_1232 = vector.broadcast %add3A_1231 : f32 to vector<16xf32>
      %add3A_1233 = arith.addf %add3A_1232, %exp3A_1230 : vector<16xf32>
      %div3A_1234 = arith.constant 1.000000e+00 : f32
      %div3A_1235 = vector.broadcast %div3A_1234 : f32 to vector<16xf32>
      %div3A_1236 = arith.divf %div3A_1235, %add3A_1233 : vector<16xf32>
      %mul3A_1237 = arith.mulf %div3A_1236, %get3A_1223 : vector<16xf32>
      %add3A_1238 = arith.addf %add3A_1220, %mul3A_1237 : vector<16xf32>
      %get3A_1239 = arith.index_cast %add3A_1185 : i32 to index
      %get3A_1240 = arith.constant 48 : index
      %get3A_1241 = tpu.vector_load %arg13[%get3A_1239, %get3A_1240] {strides = array<i32>} : memref<512x64xf32, #tpu.memory_space<vmem>>, vector<16xf32>,
      %get3A_1242 = arith.index_cast %add3A_1185 : i32 to index
      %get3A_1243 = arith.constant 48 : index
      %get3A_1244 = tpu.vector_load %arg14[%get3A_1242, %get3A_1243] {strides = array<i32>} : memref<512x64xf32, #tpu.memory_space<vmem>>, vector<16xf32>,
      %neg3A_1245 = arith.constant 0.000000e+00 : f32
      %neg3A_1246 = vector.broadcast %neg3A_1245 : f32 to vector<16xf32>
      %neg3A_1247 = arith.subf %neg3A_1246, %get3A_1244 : vector<16xf32>
      %exp3A_1248 = math.exp %neg3A_1247 : vector<16xf32>
      %add3A_1249 = arith.constant 1.000000e+00 : f32
      %add3A_1250 = vector.broadcast %add3A_1249 : f32 to vector<16xf32>
      %add3A_1251 = arith.addf %add3A_1250, %exp3A_1248 : vector<16xf32>
      %div3A_1252 = arith.constant 1.000000e+00 : f32
      %div3A_1253 = vector.broadcast %div3A_1252 : f32 to vector<16xf32>
      %div3A_1254 = arith.divf %div3A_1253, %add3A_1251 : vector<16xf32>
      %mul3A_1255 = arith.mulf %div3A_1254, %get3A_1241 : vector<16xf32>
      %add3A_1256 = arith.addf %add3A_1238, %mul3A_1255 : vector<16xf32>
      %swap3A_1257 = arith.constant 192 : index
      %swap3A_1258 = tpu.vector_load %arg18[%swap3A_1257] {strides = array<i32>} : memref<256xf32, #tpu.memory_space<vmem>>, vector<16xf32>,
      tpu.vector_store %arg18[%swap3A_1257], %add3A_1256 {strides = array<i32>} : memref<256xf32, #tpu.memory_space<vmem>>, vector<16xf32>,
      %mul3A_1259 = arith.constant 16 : i32
      %mul3A_1260 = arith.muli %scan3A_260, %mul3A_1259 : i32
      %add3A_1261 = arith.constant 13 : i32
      %add3A_1262 = arith.addi %mul3A_1260, %add3A_1261 : i32
      %get3A_1263 = arith.index_cast %add3A_1262 : i32 to index
      %get3A_1264 = arith.constant 0 : index
      %get3A_1265 = tpu.vector_load %arg13[%get3A_1263, %get3A_1264] {strides = array<i32>} : memref<512x64xf32, #tpu.memory_space<vmem>>, vector<16xf32>,
      %get3A_1266 = arith.index_cast %add3A_1262 : i32 to index
      %get3A_1267 = arith.constant 0 : index
      %get3A_1268 = tpu.vector_load %arg14[%get3A_1266, %get3A_1267] {strides = array<i32>} : memref<512x64xf32, #tpu.memory_space<vmem>>, vector<16xf32>,
      %neg3A_1269 = arith.constant 0.000000e+00 : f32
      %neg3A_1270 = vector.broadcast %neg3A_1269 : f32 to vector<16xf32>
      %neg3A_1271 = arith.subf %neg3A_1270, %get3A_1268 : vector<16xf32>
      %exp3A_1272 = math.exp %neg3A_1271 : vector<16xf32>
      %add3A_1273 = arith.constant 1.000000e+00 : f32
      %add3A_1274 = vector.broadcast %add3A_1273 : f32 to vector<16xf32>
      %add3A_1275 = arith.addf %add3A_1274, %exp3A_1272 : vector<16xf32>
      %div3A_1276 = arith.constant 1.000000e+00 : f32
      %div3A_1277 = vector.broadcast %div3A_1276 : f32 to vector<16xf32>
      %div3A_1278 = arith.divf %div3A_1277, %add3A_1275 : vector<16xf32>
      %mul3A_1279 = arith.mulf %div3A_1278, %get3A_1265 : vector<16xf32>
      %get3A_1280 = arith.index_cast %add3A_1262 : i32 to index
      %get3A_1281 = arith.constant 16 : index
      %get3A_1282 = tpu.vector_load %arg13[%get3A_1280, %get3A_1281] {strides = array<i32>} : memref<512x64xf32, #tpu.memory_space<vmem>>, vector<16xf32>,
      %get3A_1283 = arith.index_cast %add3A_1262 : i32 to index
      %get3A_1284 = arith.constant 16 : index
      %get3A_1285 = tpu.vector_load %arg14[%get3A_1283, %get3A_1284] {strides = array<i32>} : memref<512x64xf32, #tpu.memory_space<vmem>>, vector<16xf32>,
      %neg3A_1286 = arith.constant 0.000000e+00 : f32
      %neg3A_1287 = vector.broadcast %neg3A_1286 : f32 to vector<16xf32>
      %neg3A_1288 = arith.subf %neg3A_1287, %get3A_1285 : vector<16xf32>
      %exp3A_1289 = math.exp %neg3A_1288 : vector<16xf32>
      %add3A_1290 = arith.constant 1.000000e+00 : f32
      %add3A_1291 = vector.broadcast %add3A_1290 : f32 to vector<16xf32>
      %add3A_1292 = arith.addf %add3A_1291, %exp3A_1289 : vector<16xf32>
      %div3A_1293 = arith.constant 1.000000e+00 : f32
      %div3A_1294 = vector.broadcast %div3A_1293 : f32 to vector<16xf32>
      %div3A_1295 = arith.divf %div3A_1294, %add3A_1292 : vector<16xf32>
      %mul3A_1296 = arith.mulf %div3A_1295, %get3A_1282 : vector<16xf32>
      %add3A_1297 = arith.addf %mul3A_1279, %mul3A_1296 : vector<16xf32>
      %get3A_1298 = arith.index_cast %add3A_1262 : i32 to index
      %get3A_1299 = arith.constant 32 : index
      %get3A_1300 = tpu.vector_load %arg13[%get3A_1298, %get3A_1299] {strides = array<i32>} : memref<512x64xf32, #tpu.memory_space<vmem>>, vector<16xf32>,
      %get3A_1301 = arith.index_cast %add3A_1262 : i32 to index
      %get3A_1302 = arith.constant 32 : index
      %get3A_1303 = tpu.vector_load %arg14[%get3A_1301, %get3A_1302] {strides = array<i32>} : memref<512x64xf32, #tpu.memory_space<vmem>>, vector<16xf32>,
      %neg3A_1304 = arith.constant 0.000000e+00 : f32
      %neg3A_1305 = vector.broadcast %neg3A_1304 : f32 to vector<16xf32>
      %neg3A_1306 = arith.subf %neg3A_1305, %get3A_1303 : vector<16xf32>
      %exp3A_1307 = math.exp %neg3A_1306 : vector<16xf32>
      %add3A_1308 = arith.constant 1.000000e+00 : f32
      %add3A_1309 = vector.broadcast %add3A_1308 : f32 to vector<16xf32>
      %add3A_1310 = arith.addf %add3A_1309, %exp3A_1307 : vector<16xf32>
      %div3A_1311 = arith.constant 1.000000e+00 : f32
      %div3A_1312 = vector.broadcast %div3A_1311 : f32 to vector<16xf32>
      %div3A_1313 = arith.divf %div3A_1312, %add3A_1310 : vector<16xf32>
      %mul3A_1314 = arith.mulf %div3A_1313, %get3A_1300 : vector<16xf32>
      %add3A_1315 = arith.addf %add3A_1297, %mul3A_1314 : vector<16xf32>
      %get3A_1316 = arith.index_cast %add3A_1262 : i32 to index
      %get3A_1317 = arith.constant 48 : index
      %get3A_1318 = tpu.vector_load %arg13[%get3A_1316, %get3A_1317] {strides = array<i32>} : memref<512x64xf32, #tpu.memory_space<vmem>>, vector<16xf32>,
      %get3A_1319 = arith.index_cast %add3A_1262 : i32 to index
      %get3A_1320 = arith.constant 48 : index
      %get3A_1321 = tpu.vector_load %arg14[%get3A_1319, %get3A_1320] {strides = array<i32>} : memref<512x64xf32, #tpu.memory_space<vmem>>, vector<16xf32>,
      %neg3A_1322 = arith.constant 0.000000e+00 : f32
      %neg3A_1323 = vector.broadcast %neg3A_1322 : f32 to vector<16xf32>
      %neg3A_1324 = arith.subf %neg3A_1323, %get3A_1321 : vector<16xf32>
      %exp3A_1325 = math.exp %neg3A_1324 : vector<16xf32>
      %add3A_1326 = arith.constant 1.000000e+00 : f32
      %add3A_1327 = vector.broadcast %add3A_1326 : f32 to vector<16xf32>
      %add3A_1328 = arith.addf %add3A_1327, %exp3A_1325 : vector<16xf32>
      %div3A_1329 = arith.constant 1.000000e+00 : f32
      %div3A_1330 = vector.broadcast %div3A_1329 : f32 to vector<16xf32>
      %div3A_1331 = arith.divf %div3A_1330, %add3A_1328 : vector<16xf32>
      %mul3A_1332 = arith.mulf %div3A_1331, %get3A_1318 : vector<16xf32>
      %add3A_1333 = arith.addf %add3A_1315, %mul3A_1332 : vector<16xf32>
      %swap3A_1334 = arith.constant 208 : index
      %swap3A_1335 = tpu.vector_load %arg18[%swap3A_1334] {strides = array<i32>} : memref<256xf32, #tpu.memory_space<vmem>>, vector<16xf32>,
      tpu.vector_store %arg18[%swap3A_1334], %add3A_1333 {strides = array<i32>} : memref<256xf32, #tpu.memory_space<vmem>>, vector<16xf32>,
      %mul3A_1336 = arith.constant 16 : i32
      %mul3A_1337 = arith.muli %scan3A_260, %mul3A_1336 : i32
      %add3A_1338 = arith.constant 14 : i32
      %add3A_1339 = arith.addi %mul3A_1337, %add3A_1338 : i32
      %get3A_1340 = arith.index_cast %add3A_1339 : i32 to index
      %get3A_1341 = arith.constant 0 : index
      %get3A_1342 = tpu.vector_load %arg13[%get3A_1340, %get3A_1341] {strides = array<i32>} : memref<512x64xf32, #tpu.memory_space<vmem>>, vector<16xf32>,
      %get3A_1343 = arith.index_cast %add3A_1339 : i32 to index
      %get3A_1344 = arith.constant 0 : index
      %get3A_1345 = tpu.vector_load %arg14[%get3A_1343, %get3A_1344] {strides = array<i32>} : memref<512x64xf32, #tpu.memory_space<vmem>>, vector<16xf32>,
      %neg3A_1346 = arith.constant 0.000000e+00 : f32
      %neg3A_1347 = vector.broadcast %neg3A_1346 : f32 to vector<16xf32>
      %neg3A_1348 = arith.subf %neg3A_1347, %get3A_1345 : vector<16xf32>
      %exp3A_1349 = math.exp %neg3A_1348 : vector<16xf32>
      %add3A_1350 = arith.constant 1.000000e+00 : f32
      %add3A_1351 = vector.broadcast %add3A_1350 : f32 to vector<16xf32>
      %add3A_1352 = arith.addf %add3A_1351, %exp3A_1349 : vector<16xf32>
      %div3A_1353 = arith.constant 1.000000e+00 : f32
      %div3A_1354 = vector.broadcast %div3A_1353 : f32 to vector<16xf32>
      %div3A_1355 = arith.divf %div3A_1354, %add3A_1352 : vector<16xf32>
      %mul3A_1356 = arith.mulf %div3A_1355, %get3A_1342 : vector<16xf32>
      %get3A_1357 = arith.index_cast %add3A_1339 : i32 to index
      %get3A_1358 = arith.constant 16 : index
      %get3A_1359 = tpu.vector_load %arg13[%get3A_1357, %get3A_1358] {strides = array<i32>} : memref<512x64xf32, #tpu.memory_space<vmem>>, vector<16xf32>,
      %get3A_1360 = arith.index_cast %add3A_1339 : i32 to index
      %get3A_1361 = arith.constant 16 : index
      %get3A_1362 = tpu.vector_load %arg14[%get3A_1360, %get3A_1361] {strides = array<i32>} : memref<512x64xf32, #tpu.memory_space<vmem>>, vector<16xf32>,
      %neg3A_1363 = arith.constant 0.000000e+00 : f32
      %neg3A_1364 = vector.broadcast %neg3A_1363 : f32 to vector<16xf32>
      %neg3A_1365 = arith.subf %neg3A_1364, %get3A_1362 : vector<16xf32>
      %exp3A_1366 = math.exp %neg3A_1365 : vector<16xf32>
      %add3A_1367 = arith.constant 1.000000e+00 : f32
      %add3A_1368 = vector.broadcast %add3A_1367 : f32 to vector<16xf32>
      %add3A_1369 = arith.addf %add3A_1368, %exp3A_1366 : vector<16xf32>
      %div3A_1370 = arith.constant 1.000000e+00 : f32
      %div3A_1371 = vector.broadcast %div3A_1370 : f32 to vector<16xf32>
      %div3A_1372 = arith.divf %div3A_1371, %add3A_1369 : vector<16xf32>
      %mul3A_1373 = arith.mulf %div3A_1372, %get3A_1359 : vector<16xf32>
      %add3A_1374 = arith.addf %mul3A_1356, %mul3A_1373 : vector<16xf32>
      %get3A_1375 = arith.index_cast %add3A_1339 : i32 to index
      %get3A_1376 = arith.constant 32 : index
      %get3A_1377 = tpu.vector_load %arg13[%get3A_1375, %get3A_1376] {strides = array<i32>} : memref<512x64xf32, #tpu.memory_space<vmem>>, vector<16xf32>,
      %get3A_1378 = arith.index_cast %add3A_1339 : i32 to index
      %get3A_1379 = arith.constant 32 : index
      %get3A_1380 = tpu.vector_load %arg14[%get3A_1378, %get3A_1379] {strides = array<i32>} : memref<512x64xf32, #tpu.memory_space<vmem>>, vector<16xf32>,
      %neg3A_1381 = arith.constant 0.000000e+00 : f32
      %neg3A_1382 = vector.broadcast %neg3A_1381 : f32 to vector<16xf32>
      %neg3A_1383 = arith.subf %neg3A_1382, %get3A_1380 : vector<16xf32>
      %exp3A_1384 = math.exp %neg3A_1383 : vector<16xf32>
      %add3A_1385 = arith.constant 1.000000e+00 : f32
      %add3A_1386 = vector.broadcast %add3A_1385 : f32 to vector<16xf32>
      %add3A_1387 = arith.addf %add3A_1386, %exp3A_1384 : vector<16xf32>
      %div3A_1388 = arith.constant 1.000000e+00 : f32
      %div3A_1389 = vector.broadcast %div3A_1388 : f32 to vector<16xf32>
      %div3A_1390 = arith.divf %div3A_1389, %add3A_1387 : vector<16xf32>
      %mul3A_1391 = arith.mulf %div3A_1390, %get3A_1377 : vector<16xf32>
      %add3A_1392 = arith.addf %add3A_1374, %mul3A_1391 : vector<16xf32>
      %get3A_1393 = arith.index_cast %add3A_1339 : i32 to index
      %get3A_1394 = arith.constant 48 : index
      %get3A_1395 = tpu.vector_load %arg13[%get3A_1393, %get3A_1394] {strides = array<i32>} : memref<512x64xf32, #tpu.memory_space<vmem>>, vector<16xf32>,
      %get3A_1396 = arith.index_cast %add3A_1339 : i32 to index
      %get3A_1397 = arith.constant 48 : index
      %get3A_1398 = tpu.vector_load %arg14[%get3A_1396, %get3A_1397] {strides = array<i32>} : memref<512x64xf32, #tpu.memory_space<vmem>>, vector<16xf32>,
      %neg3A_1399 = arith.constant 0.000000e+00 : f32
      %neg3A_1400 = vector.broadcast %neg3A_1399 : f32 to vector<16xf32>
      %neg3A_1401 = arith.subf %neg3A_1400, %get3A_1398 : vector<16xf32>
      %exp3A_1402 = math.exp %neg3A_1401 : vector<16xf32>
      %add3A_1403 = arith.constant 1.000000e+00 : f32
      %add3A_1404 = vector.broadcast %add3A_1403 : f32 to vector<16xf32>
      %add3A_1405 = arith.addf %add3A_1404, %exp3A_1402 : vector<16xf32>
      %div3A_1406 = arith.constant 1.000000e+00 : f32
      %div3A_1407 = vector.broadcast %div3A_1406 : f32 to vector<16xf32>
      %div3A_1408 = arith.divf %div3A_1407, %add3A_1405 : vector<16xf32>
      %mul3A_1409 = arith.mulf %div3A_1408, %get3A_1395 : vector<16xf32>
      %add3A_1410 = arith.addf %add3A_1392, %mul3A_1409 : vector<16xf32>
      %swap3A_1411 = arith.constant 224 : index
      %swap3A_1412 = tpu.vector_load %arg18[%swap3A_1411] {strides = array<i32>} : memref<256xf32, #tpu.memory_space<vmem>>, vector<16xf32>,
      tpu.vector_store %arg18[%swap3A_1411], %add3A_1410 {strides = array<i32>} : memref<256xf32, #tpu.memory_space<vmem>>, vector<16xf32>,
      %mul3A_1413 = arith.constant 16 : i32
      %mul3A_1414 = arith.muli %scan3A_260, %mul3A_1413 : i32
      %add3A_1415 = arith.constant 15 : i32
      %add3A_1416 = arith.addi %mul3A_1414, %add3A_1415 : i32
      %get3A_1417 = arith.index_cast %add3A_1416 : i32 to index
      %get3A_1418 = arith.constant 0 : index
      %get3A_1419 = tpu.vector_load %arg13[%get3A_1417, %get3A_1418] {strides = array<i32>} : memref<512x64xf32, #tpu.memory_space<vmem>>, vector<16xf32>,
      %get3A_1420 = arith.index_cast %add3A_1416 : i32 to index
      %get3A_1421 = arith.constant 0 : index
      %get3A_1422 = tpu.vector_load %arg14[%get3A_1420, %get3A_1421] {strides = array<i32>} : memref<512x64xf32, #tpu.memory_space<vmem>>, vector<16xf32>,
      %neg3A_1423 = arith.constant 0.000000e+00 : f32
      %neg3A_1424 = vector.broadcast %neg3A_1423 : f32 to vector<16xf32>
      %neg3A_1425 = arith.subf %neg3A_1424, %get3A_1422 : vector<16xf32>
      %exp3A_1426 = math.exp %neg3A_1425 : vector<16xf32>
      %add3A_1427 = arith.constant 1.000000e+00 : f32
      %add3A_1428 = vector.broadcast %add3A_1427 : f32 to vector<16xf32>
      %add3A_1429 = arith.addf %add3A_1428, %exp3A_1426 : vector<16xf32>
      %div3A_1430 = arith.constant 1.000000e+00 : f32
      %div3A_1431 = vector.broadcast %div3A_1430 : f32 to vector<16xf32>
      %div3A_1432 = arith.divf %div3A_1431, %add3A_1429 : vector<16xf32>
      %mul3A_1433 = arith.mulf %div3A_1432, %get3A_1419 : vector<16xf32>
      %get3A_1434 = arith.index_cast %add3A_1416 : i32 to index
      %get3A_1435 = arith.constant 16 : index
      %get3A_1436 = tpu.vector_load %arg13[%get3A_1434, %get3A_1435] {strides = array<i32>} : memref<512x64xf32, #tpu.memory_space<vmem>>, vector<16xf32>,
      %get3A_1437 = arith.index_cast %add3A_1416 : i32 to index
      %get3A_1438 = arith.constant 16 : index
      %get3A_1439 = tpu.vector_load %arg14[%get3A_1437, %get3A_1438] {strides = array<i32>} : memref<512x64xf32, #tpu.memory_space<vmem>>, vector<16xf32>,
      %neg3A_1440 = arith.constant 0.000000e+00 : f32
      %neg3A_1441 = vector.broadcast %neg3A_1440 : f32 to vector<16xf32>
      %neg3A_1442 = arith.subf %neg3A_1441, %get3A_1439 : vector<16xf32>
      %exp3A_1443 = math.exp %neg3A_1442 : vector<16xf32>
      %add3A_1444 = arith.constant 1.000000e+00 : f32
      %add3A_1445 = vector.broadcast %add3A_1444 : f32 to vector<16xf32>
      %add3A_1446 = arith.addf %add3A_1445, %exp3A_1443 : vector<16xf32>
      %div3A_1447 = arith.constant 1.000000e+00 : f32
      %div3A_1448 = vector.broadcast %div3A_1447 : f32 to vector<16xf32>
      %div3A_1449 = arith.divf %div3A_1448, %add3A_1446 : vector<16xf32>
      %mul3A_1450 = arith.mulf %div3A_1449, %get3A_1436 : vector<16xf32>
      %add3A_1451 = arith.addf %mul3A_1433, %mul3A_1450 : vector<16xf32>
      %get3A_1452 = arith.index_cast %add3A_1416 : i32 to index
      %get3A_1453 = arith.constant 32 : index
      %get3A_1454 = tpu.vector_load %arg13[%get3A_1452, %get3A_1453] {strides = array<i32>} : memref<512x64xf32, #tpu.memory_space<vmem>>, vector<16xf32>,
      %get3A_1455 = arith.index_cast %add3A_1416 : i32 to index
      %get3A_1456 = arith.constant 32 : index
      %get3A_1457 = tpu.vector_load %arg14[%get3A_1455, %get3A_1456] {strides = array<i32>} : memref<512x64xf32, #tpu.memory_space<vmem>>, vector<16xf32>,
      %neg3A_1458 = arith.constant 0.000000e+00 : f32
      %neg3A_1459 = vector.broadcast %neg3A_1458 : f32 to vector<16xf32>
      %neg3A_1460 = arith.subf %neg3A_1459, %get3A_1457 : vector<16xf32>
      %exp3A_1461 = math.exp %neg3A_1460 : vector<16xf32>
      %add3A_1462 = arith.constant 1.000000e+00 : f32
      %add3A_1463 = vector.broadcast %add3A_1462 : f32 to vector<16xf32>
      %add3A_1464 = arith.addf %add3A_1463, %exp3A_1461 : vector<16xf32>
      %div3A_1465 = arith.constant 1.000000e+00 : f32
      %div3A_1466 = vector.broadcast %div3A_1465 : f32 to vector<16xf32>
      %div3A_1467 = arith.divf %div3A_1466, %add3A_1464 : vector<16xf32>
      %mul3A_1468 = arith.mulf %div3A_1467, %get3A_1454 : vector<16xf32>
      %add3A_1469 = arith.addf %add3A_1451, %mul3A_1468 : vector<16xf32>
      %get3A_1470 = arith.index_cast %add3A_1416 : i32 to index
      %get3A_1471 = arith.constant 48 : index
      %get3A_1472 = tpu.vector_load %arg13[%get3A_1470, %get3A_1471] {strides = array<i32>} : memref<512x64xf32, #tpu.memory_space<vmem>>, vector<16xf32>,
      %get3A_1473 = arith.index_cast %add3A_1416 : i32 to index
      %get3A_1474 = arith.constant 48 : index
      %get3A_1475 = tpu.vector_load %arg14[%get3A_1473, %get3A_1474] {strides = array<i32>} : memref<512x64xf32, #tpu.memory_space<vmem>>, vector<16xf32>,
      %neg3A_1476 = arith.constant 0.000000e+00 : f32
      %neg3A_1477 = vector.broadcast %neg3A_1476 : f32 to vector<16xf32>
      %neg3A_1478 = arith.subf %neg3A_1477, %get3A_1475 : vector<16xf32>
      %exp3A_1479 = math.exp %neg3A_1478 : vector<16xf32>
      %add3A_1480 = arith.constant 1.000000e+00 : f32
      %add3A_1481 = vector.broadcast %add3A_1480 : f32 to vector<16xf32>
      %add3A_1482 = arith.addf %add3A_1481, %exp3A_1479 : vector<16xf32>
      %div3A_1483 = arith.constant 1.000000e+00 : f32
      %div3A_1484 = vector.broadcast %div3A_1483 : f32 to vector<16xf32>
      %div3A_1485 = arith.divf %div3A_1484, %add3A_1482 : vector<16xf32>
      %mul3A_1486 = arith.mulf %div3A_1485, %get3A_1472 : vector<16xf32>
      %add3A_1487 = arith.addf %add3A_1469, %mul3A_1486 : vector<16xf32>
      %swap3A_1488 = arith.constant 240 : index
      %swap3A_1489 = tpu.vector_load %arg18[%swap3A_1488] {strides = array<i32>} : memref<256xf32, #tpu.memory_space<vmem>>, vector<16xf32>,
      tpu.vector_store %arg18[%swap3A_1488], %add3A_1487 {strides = array<i32>} : memref<256xf32, #tpu.memory_space<vmem>>, vector<16xf32>,
      %gather3A = tpu.vector_load_idx %arg18[%mul3A_247] : memref<256xf32, #tpu.memory_space<vmem>>[vector<16xi32>], vector<16xf32>,
      %add3A_1490 = arith.constant 1 : i32
      %add3A_1491 = vector.broadcast %add3A_1490 : i32 to vector<16xi32>
      %add3A_1492 = arith.addi %mul3A_247, %add3A_1491 : vector<16xi32>
      %gather3A_1493 = tpu.vector_load_idx %arg18[%add3A_1492] : memref<256xf32, #tpu.memory_space<vmem>>[vector<16xi32>], vector<16xf32>,
      %add3A_1494 = arith.addf %gather3A, %gather3A_1493 : vector<16xf32>
      %add3A_1495 = arith.constant 2 : i32
      %add3A_1496 = vector.broadcast %add3A_1495 : i32 to vector<16xi32>
      %add3A_1497 = arith.addi %mul3A_247, %add3A_1496 : vector<16xi32>
      %gather3A_1498 = tpu.vector_load_idx %arg18[%add3A_1497] : memref<256xf32, #tpu.memory_space<vmem>>[vector<16xi32>], vector<16xf32>,
      %add3A_1499 = arith.addf %add3A_1494, %gather3A_1498 : vector<16xf32>
      %add3A_1500 = arith.constant 3 : i32
      %add3A_1501 = vector.broadcast %add3A_1500 : i32 to vector<16xi32>
      %add3A_1502 = arith.addi %mul3A_247, %add3A_1501 : vector<16xi32>
      %gather3A_1503 = tpu.vector_load_idx %arg18[%add3A_1502] : memref<256xf32, #tpu.memory_space<vmem>>[vector<16xi32>], vector<16xf32>,
      %add3A_1504 = arith.addf %add3A_1499, %gather3A_1503 : vector<16xf32>
      %add3A_1505 = arith.constant 4 : i32
      %add3A_1506 = vector.broadcast %add3A_1505 : i32 to vector<16xi32>
      %add3A_1507 = arith.addi %mul3A_247, %add3A_1506 : vector<16xi32>
      %gather3A_1508 = tpu.vector_load_idx %arg18[%add3A_1507] : memref<256xf32, #tpu.memory_space<vmem>>[vector<16xi32>], vector<16xf32>,
      %add3A_1509 = arith.addf %add3A_1504, %gather3A_1508 : vector<16xf32>
      %add3A_1510 = arith.constant 5 : i32
      %add3A_1511 = vector.broadcast %add3A_1510 : i32 to vector<16xi32>
      %add3A_1512 = arith.addi %mul3A_247, %add3A_1511 : vector<16xi32>
      %gather3A_1513 = tpu.vector_load_idx %arg18[%add3A_1512] : memref<256xf32, #tpu.memory_space<vmem>>[vector<16xi32>], vector<16xf32>,
      %add3A_1514 = arith.addf %add3A_1509, %gather3A_1513 : vector<16xf32>
      %add3A_1515 = arith.constant 6 : i32
      %add3A_1516 = vector.broadcast %add3A_1515 : i32 to vector<16xi32>
      %add3A_1517 = arith.addi %mul3A_247, %add3A_1516 : vector<16xi32>
      %gather3A_1518 = tpu.vector_load_idx %arg18[%add3A_1517] : memref<256xf32, #tpu.memory_space<vmem>>[vector<16xi32>], vector<16xf32>,
      %add3A_1519 = arith.addf %add3A_1514, %gather3A_1518 : vector<16xf32>
      %add3A_1520 = arith.constant 7 : i32
      %add3A_1521 = vector.broadcast %add3A_1520 : i32 to vector<16xi32>
      %add3A_1522 = arith.addi %mul3A_247, %add3A_1521 : vector<16xi32>
      %gather3A_1523 = tpu.vector_load_idx %arg18[%add3A_1522] : memref<256xf32, #tpu.memory_space<vmem>>[vector<16xi32>], vector<16xf32>,
      %add3A_1524 = arith.addf %add3A_1519, %gather3A_1523 : vector<16xf32>
      %add3A_1525 = arith.constant 8 : i32
      %add3A_1526 = vector.broadcast %add3A_1525 : i32 to vector<16xi32>
      %add3A_1527 = arith.addi %mul3A_247, %add3A_1526 : vector<16xi32>
      %gather3A_1528 = tpu.vector_load_idx %arg18[%add3A_1527] : memref<256xf32, #tpu.memory_space<vmem>>[vector<16xi32>], vector<16xf32>,
      %add3A_1529 = arith.addf %add3A_1524, %gather3A_1528 : vector<16xf32>
      %add3A_1530 = arith.constant 9 : i32
      %add3A_1531 = vector.broadcast %add3A_1530 : i32 to vector<16xi32>
      %add3A_1532 = arith.addi %mul3A_247, %add3A_1531 : vector<16xi32>
      %gather3A_1533 = tpu.vector_load_idx %arg18[%add3A_1532] : memref<256xf32, #tpu.memory_space<vmem>>[vector<16xi32>], vector<16xf32>,
      %add3A_1534 = arith.addf %add3A_1529, %gather3A_1533 : vector<16xf32>
      %add3A_1535 = arith.constant 10 : i32
      %add3A_1536 = vector.broadcast %add3A_1535 : i32 to vector<16xi32>
      %add3A_1537 = arith.addi %mul3A_247, %add3A_1536 : vector<16xi32>
      %gather3A_1538 = tpu.vector_load_idx %arg18[%add3A_1537] : memref<256xf32, #tpu.memory_space<vmem>>[vector<16xi32>], vector<16xf32>,
      %add3A_1539 = arith.addf %add3A_1534, %gather3A_1538 : vector<16xf32>
      %add3A_1540 = arith.constant 11 : i32
      %add3A_1541 = vector.broadcast %add3A_1540 : i32 to vector<16xi32>
      %add3A_1542 = arith.addi %mul3A_247, %add3A_1541 : vector<16xi32>
      %gather3A_1543 = tpu.vector_load_idx %arg18[%add3A_1542] : memref<256xf32, #tpu.memory_space<vmem>>[vector<16xi32>], vector<16xf32>,
      %add3A_1544 = arith.addf %add3A_1539, %gather3A_1543 : vector<16xf32>
      %add3A_1545 = arith.constant 12 : i32
      %add3A_1546 = vector.broadcast %add3A_1545 : i32 to vector<16xi32>
      %add3A_1547 = arith.addi %mul3A_247, %add3A_1546 : vector<16xi32>
      %gather3A_1548 = tpu.vector_load_idx %arg18[%add3A_1547] : memref<256xf32, #tpu.memory_space<vmem>>[vector<16xi32>], vector<16xf32>,
      %add3A_1549 = arith.addf %add3A_1544, %gather3A_1548 : vector<16xf32>
      %add3A_1550 = arith.constant 13 : i32
      %add3A_1551 = vector.broadcast %add3A_1550 : i32 to vector<16xi32>
      %add3A_1552 = arith.addi %mul3A_247, %add3A_1551 : vector<16xi32>
      %gather3A_1553 = tpu.vector_load_idx %arg18[%add3A_1552] : memref<256xf32, #tpu.memory_space<vmem>>[vector<16xi32>], vector<16xf32>,
      %add3A_1554 = arith.addf %add3A_1549, %gather3A_1553 : vector<16xf32>
      %add3A_1555 = arith.constant 14 : i32
      %add3A_1556 = vector.broadcast %add3A_1555 : i32 to vector<16xi32>
      %add3A_1557 = arith.addi %mul3A_247, %add3A_1556 : vector<16xi32>
      %gather3A_1558 = tpu.vector_load_idx %arg18[%add3A_1557] : memref<256xf32, #tpu.memory_space<vmem>>[vector<16xi32>], vector<16xf32>,
      %add3A_1559 = arith.addf %add3A_1554, %gather3A_1558 : vector<16xf32>
      %add3A_1560 = arith.constant 15 : i32
      %add3A_1561 = vector.broadcast %add3A_1560 : i32 to vector<16xi32>
      %add3A_1562 = arith.addi %mul3A_247, %add3A_1561 : vector<16xi32>
      %gather3A_1563 = tpu.vector_load_idx %arg18[%add3A_1562] : memref<256xf32, #tpu.memory_space<vmem>>[vector<16xi32>], vector<16xf32>,
      %add3A_1564 = arith.addf %add3A_1559, %gather3A_1563 : vector<16xf32>
      %mul3A_1565 = arith.constant 16 : i32
      %mul3A_1566 = arith.muli %scan3A_260, %mul3A_1565 : i32
      %add3A_1567 = vector.broadcast %mul3A_1566 : i32 to vector<16xi32>
      %add3A_1568 = arith.addi %add3A_1567, %iota3A : vector<16xi32>
      %gather3A_1569 = tpu.vector_load_idx %arg15[%add3A_1568, %mul3A_250] : memref<512x1xf32, #tpu.memory_space<vmem>>[vector<16xi32>, vector<16xi32>], vector<16xf32>,
      %mul3A_1570 = arith.constant 16 : i32
      %mul3A_1571 = arith.muli %scan3A_260, %mul3A_1570 : i32
      %get3A_1572 = arith.index_cast %mul3A_1571 : i32 to index
      %get3A_1573 = tpu.vector_load %arg16[%get3A_1572] {strides = array<i32>} : memref<512xf32, #tpu.memory_space<vmem>>, vector<16xf32>,
      %sub3A = arith.subf %gather3A_1569, %add3A_1564 : vector<16xf32>
      %exp3A_1574 = math.exp %sub3A : vector<16xf32>
      %add3A_1575 = arith.constant 1.000000e+00 : f32
      %add3A_1576 = vector.broadcast %add3A_1575 : f32 to vector<16xf32>
      %add3A_1577 = arith.addf %add3A_1576, %exp3A_1574 : vector<16xf32>
      %div3A_1578 = arith.constant 1.000000e+00 : f32
      %div3A_1579 = vector.broadcast %div3A_1578 : f32 to vector<16xf32>
      %div3A_1580 = arith.divf %div3A_1579, %add3A_1577 : vector<16xf32>
      %mul3A_1581 = arith.mulf %div3A_1580, %get3A_1573 : vector<16xf32>
      %mul3A_1582 = arith.mulf %mul3A_1581, %get3A_251 : vector<16xf32>
      %add3A_1583 = arith.addf %mul3A_1582, %get3A_253 : vector<16xf32>
      %neg3A_1584 = arith.constant 0.000000e+00 : f32
      %neg3A_1585 = vector.broadcast %neg3A_1584 : f32 to vector<16xf32>
      %neg3A_1586 = arith.subf %neg3A_1585, %add3A_1583 : vector<16xf32>
      %exp3A_1587 = math.exp %neg3A_1586 : vector<16xf32>
      %add3A_1588 = arith.constant 1.000000e+00 : f32
      %add3A_1589 = vector.broadcast %add3A_1588 : f32 to vector<16xf32>
      %add3A_1590 = arith.addf %add3A_1589, %exp3A_1587 : vector<16xf32>
      %div3A_1591 = arith.constant 1.000000e+00 : f32
      %div3A_1592 = vector.broadcast %div3A_1591 : f32 to vector<16xf32>
      %div3A_1593 = arith.divf %div3A_1592, %add3A_1590 : vector<16xf32>
      %mul3A_1594 = arith.constant 16 : i32
      %mul3A_1595 = arith.muli %scan3A_260, %mul3A_1594 : i32
      %swap3A_1596 = arith.index_cast %mul3A_1595 : i32 to index
      %swap3A_1597 = tpu.vector_load %arg17[%swap3A_1596] {strides = array<i32>} : memref<512xf32, #tpu.memory_space<vmem>>, vector<16xf32>,
      tpu.vector_store %arg17[%swap3A_1596], %div3A_1593 {strides = array<i32>} : memref<512xf32, #tpu.memory_space<vmem>>, vector<16xf32>,
      %scan3A_1598 = arith.constant 0 : i32
      scf.yield %scan3A_1598 : i32
    }
    %scan3A_259 = arith.constant 32 : i32
    "tpu.region"() ({
      %run_scoped3A = tpu.sem_alloc : memref<!tpu.dma_semaphore, #tpu.memory_space<semaphore_mem>>
      %dma_start3A_260 = tpu.memref_slice %arg10[%mul3A_2] : memref<16384xf32, #tpu.memory_space<hbm>> -> memref<512xf32, #tpu.memory_space<hbm>>
      %dma_start3A_261 = tpu.memref_slice %arg10[%mul3A_2] : memref<16384xf32, #tpu.memory_space<hbm>> -> memref<512xf32, #tpu.memory_space<hbm>>
      tpu.enqueue_dma source(%arg17 : memref<512xf32, #tpu.memory_space<vmem>>) target(%dma_start3A_261 : memref<512xf32, #tpu.memory_space<hbm>>) target_semaphore(%run_scoped3A : memref<!tpu.dma_semaphore, #tpu.memory_space<semaphore_mem>>)
      %dma_wait3A_262 = tpu.memref_slice %arg10[%mul3A_2] : memref<16384xf32, #tpu.memory_space<hbm>> -> memref<512xf32, #tpu.memory_space<hbm>>
      %dma_wait3A_263 = tpu.memref_slice %arg10[%mul3A_2] : memref<16384xf32, #tpu.memory_space<hbm>> -> memref<512xf32, #tpu.memory_space<hbm>>
      tpu.wait_dma2 semaphore(%run_scoped3A : memref<!tpu.dma_semaphore, #tpu.memory_space<semaphore_mem>>) src(%arg17 : memref<512xf32, #tpu.memory_space<vmem>>) dst(%dma_wait3A_263 : memref<512xf32, #tpu.memory_space<hbm>>)
      tpu.yield
    }) : () -> ()
    return
  }
}

</mosaic_0001>

<sc_bundles>
// kernel: _mirtnet_sc.3.cloned.1.call-start
scs
__scs_entry_jumppad:
0x0: {  	(pc) =	sbr.rel $0x88, $3  }
0x1: {  	(tag) =	ssettag $0x0;
	lr =	simm.s32 $0x1  }
0x2: {  	[smem:$0x3F99] =	sst lr;
	_ =	strace $0xD0000000  }
0x3: {  	_ = 	snop  }
0x4: {  	_ = 	snop  }
0x5: {  	_ = 	snop  }
0x6: {  	_ = 	snop  }
0x7: {  	_ = 	snop  }
__scs_overlays_trampoline_lowered:
0x8: {  	[smem:$0x3FA8] =	sst s0  }
0x9: {  	[smem:$0x3FA9] =	sst s1  }
0xa: {  	[smem:$0x3FAA] =	sst s2  }
0xb: {  	[smem:$0x3FAB] =	sst s3  }
0xc: {  	[smem:$0x3FAC] =	sst s4  }
0xd: {  	[smem:$0x3FAD] =	sst s5  }
0xe: {  	[smem:$0x3FAE] =	sst s6  }
0xf: {  	[smem:$0x3FAF] =	sst s7  }
0x10: {  	[smem:$0x3FB0] =	sst s8  }
0x11: {  	[smem:$0x3FB1] =	sst s9;
	s0 =	simm.s32 @!p0 $0x0  }
0x12: {  	s1 =	sld [smem:$0x3F97];
	s0 =	simm.s32 @p0 $0x1  }
0x13: {  	[smem:$0x3FB2] =	sst s0;
	s0 =	simm.s32 @!p1 $0x0  }
0x14: {  	s2 =	sld [smem:$0x3F96];
	s0 =	simm.s32 @p1 $0x1  }
0x15: {  	[smem:$0x3FB3] =	sst s0;
	s0 =	simm.s32 @!p2 $0x0  }
0x16: {  	s3 =	sld [smem:$0x3FDB];
	s0 =	simm.s32 @p2 $0x1  }
0x17: {  	s4 =	simm.s32 $0x1BF5;
	[smem:$0x3FB5] =	sst s0  }
0x18: {  	s0 =	sld [smem:$0x3F98];
	_ =	swait.ge [sflag:s4], $0x0  }
0x19: {  	s7 =	sld [smem:$0x3F99]  }
0x1a: {  	s8 =	sadd.s32 $0xFFFFE003, lr  }
0x1b: {  	s9 =	sadd.s32 $0xFFFFFEF7, lr;
	s5 =	simm.s32 $0xFFFFFFFF;
	p2 =	slt.u32 s8, $0xFFFFF086  }
0x1c: {  	p1 =	slt.u32 s9, $0xF7A;
	s5 =	simm.s32 @!p2 $0x0  }
0x1d: {  	s5 =	simm.s32 @p1 $0x1;
	p0 =	seq.s32 s7, s2  }
0x1e: {  	s7 =	smul.u32 @!p0 $0xF7A, s2;
	p2 =	seq.s32 @!p0 s5, $0x0  }
0x1f: {  	s9 =	smul.u32 $0xF7A, s1;
	s8 =	simm.s32 @!p0 $0x1BF5;
	p2 =	por !p2, p0  }
0x20: {  	[sflag:s8] =	ssyncset.s32 @!p0 $0xFFFFF086;
	s6 =	sadd.s32 @!p0 s3, s7;
	s7 =	simm.s32 @!p0 $0x108  }
0x21: {  	s3 =	sadd.s32 s3, s9;
	s6 =	sadd.s32 @!p0 $0x88, s6;
	s7 =	simm.s32 @p2 $0x1082  }
0x22: {  	[simem:s7], [sflag:s8] =	dma.local @!p0 [hbm:s6], $0xF7A  }
0x23: {  	s9 =	sor.u32 $0xD0000000, s2;
	s6 =	simm.s32 $0x108;
	_ =	swait.ge @!p0 [sflag:s8], $0x0  }
0x24: {  	s3 =	sadd.s32 $0x88, s3;
	s6 =	simm.s32 @!p1 $0x1082;
	[sflag:s4] =	ssyncset.s32 $0xFFFFF086  }
0x25: {  	[simem:s6], [sflag:s4] =	dma.local [hbm:s3], $0xF7A  }
0x26: {  	[smem:$0x3F99] =	sst s1;
	(tag) =	ssettag s2;
	_ =	strace s9  }
0x27: {  	s1 =	sld [smem:$0x3FA9]  }
0x28: {  	s2 =	sld [smem:$0x3FAA]  }
0x29: {  	s4 =	sld [smem:$0x3FAC]  }
0x2a: {  	p0 =	seq.s32 s5, $0x0;
	s5 =	sld [smem:$0x3FAD]  }
0x2b: {  	s6 =	sld [smem:$0x3FAE]  }
0x2c: {  	s7 =	sld [smem:$0x3FAF]  }
0x2d: {  	s3 =	simm.s32 $0x108;
	s8 =	sld [smem:$0x3FB0]  }
0x2e: {  	s3 =	simm.s32 @!p0 $0x1082;
	s9 =	sld [smem:$0x3FB1]  }
0x2f: {  	lr =	sadd.s32 s0, s3;
	s0 =	sld [smem:$0x3FA8]  }
0x30: {  	s3 =	sld [smem:$0x3FAB]  }
0x31: {  	[smem:$0x3FB4] =	sst s10  }
0x32: {  	s10 =	sld [smem:$0x3FB2];
	_ =	sdelay $0x3  }
0x33: {  	p0 =	seq.s32 s10, $0x1;
	s10 =	sld [smem:$0x3FB4];
	_ =	sdelay $0x3  }
0x34: {  	[smem:$0x3FB4] =	sst s10  }
0x35: {  	s10 =	sld [smem:$0x3FB3];
	_ =	sdelay $0x3  }
0x36: {  	p1 =	seq.s32 s10, $0x1;
	s10 =	sld [smem:$0x3FB4];
	_ =	sdelay $0x3  }
0x37: {  	[smem:$0x3FB4] =	sst s10  }
0x38: {  	s10 =	sld [smem:$0x3FB5]  }
0x39: {  	_ = 	snop;
	(pc) =	sbr.ind lr, $3  }
0x3a: {  	_ = 	snop  }
0x3b: {  	_ = 	snop  }
0x3c: {  	p2 =	seq.s32 s10, $0x1;
	s10 =	sld [smem:$0x3FB4]  }
0x3d: {  	_ =	shalt  }
0x3e: {  	_ =	shalt  }
0x3f: {  	_ =	shalt  }
0x40: {  	_ =	shalt  }
0x41: {  	_ =	shalt  }
0x42: {  	_ =	shalt  }
0x43: {  	_ =	shalt  }
0x44: {  	_ =	shalt  }
0x45: {  	_ =	shalt  }
0x46: {  	_ =	shalt  }
0x47: {  	_ =	shalt  }
0x48: {  	_ =	shalt  }
0x49: {  	_ =	shalt  }
0x4a: {  	_ =	shalt  }
0x4b: {  	_ =	shalt  }
0x4c: {  	_ =	shalt  }
0x4d: {  	_ =	shalt  }
0x4e: {  	_ =	shalt  }
0x4f: {  	_ =	shalt  }
0x50: {  	_ =	shalt  }
0x51: {  	_ =	shalt  }
0x52: {  	_ =	shalt  }
0x53: {  	_ =	shalt  }
0x54: {  	_ =	shalt  }
0x55: {  	_ =	shalt  }
0x56: {  	_ =	shalt  }
0x57: {  	_ =	shalt  }
0x58: {  	_ =	shalt  }
0x59: {  	_ =	shalt  }
0x5a: {  	_ =	shalt  }
0x5b: {  	_ =	shalt  }
0x5c: {  	_ =	shalt  }
0x5d: {  	_ =	shalt  }
0x5e: {  	_ =	shalt  }
0x5f: {  	_ =	shalt  }
0x60: {  	_ =	shalt  }
0x61: {  	_ =	shalt  }
0x62: {  	_ =	shalt  }
0x63: {  	_ =	shalt  }
0x64: {  	_ =	shalt  }
0x65: {  	_ =	shalt  }
0x66: {  	_ =	shalt  }
0x67: {  	_ =	shalt  }
0x68: {  	_ =	shalt  }
0x69: {  	_ =	shalt  }
0x6a: {  	_ =	shalt  }
0x6b: {  	_ =	shalt  }
0x6c: {  	_ =	shalt  }
0x6d: {  	_ =	shalt  }
0x6e: {  	_ =	shalt  }
0x6f: {  	_ =	shalt  }
0x70: {  	_ =	shalt  }
0x71: {  	_ =	shalt  }
0x72: {  	_ =	shalt  }
0x73: {  	_ =	shalt  }
0x74: {  	_ =	shalt  }
0x75: {  	_ =	shalt  }
0x76: {  	_ =	shalt  }
0x77: {  	_ =	shalt  }
0x78: {  	_ =	shalt  }
0x79: {  	_ =	shalt  }
0x7a: {  	_ =	shalt  }
0x7b: {  	_ =	shalt  }
0x7c: {  	_ =	shalt  }
0x7d: {  	_ =	shalt  }
0x7e: {  	_ =	shalt  }
0x7f: {  	_ =	shalt  }
0x80: {  	_ =	shalt  }
0x81: {  	_ =	shalt  }
0x82: {  	_ =	shalt  }
0x83: {  	_ =	shalt  }
0x84: {  	_ =	shalt  }
0x85: {  	_ =	shalt  }
0x86: {  	_ =	shalt  }
0x87: {  	_ =	shalt  }
.Lfunc_end0:
.L_simem_size_0:
called_computation_lowered:
.L_overlay_start_0:
0x88: {  	s2 =	sld [smem:$0x3FD9]  }
0x89: {  	s3 =	sld [smem:$0x3FFE];
	_ =	sdelay $0x1  }
0x8a: {  	s1 =	srdreg.scid  }
0x8b: {  	s0 =	sand.u32 $0x1, s1  }
0x8c: {  	s17 =	sshll.u32 s0, $0xA;
	s2 =	sadd.s32 s3, s2  }
0x8d: {  	s2 =	sadd.s32 s2, s17  }
0x8e: {  	[smem:$0x3FC0] =	sst s2  }
0x8f: {  	_ = 	snop  }
0x90: {  	s2 =	sld [smem:$0x3FC9]  }
0x91: {  	s18 =	sld [smem:$0x3FC8]  }
0x92: {  	s4 =	sld [smem:$0x3FC7]  }
0x93: {  	s5 =	sld [smem:$0x3FC3]  }
0x94: {  	s6 =	sld [smem:$0x3FC2]  }
0x95: {  	s7 =	sld [smem:$0x3FD0];
	(tm) =	ssettm $0x1  }
0x96: {  	s8 =	sld [smem:$0x3FFB];
	_ =	sdelay $0x3  }
0x97: {  	_ =	strace s8  }
0x98: {  	s8 =	sld [smem:$0x3FFC];
	_ =	sdelay $0x3  }
0x99: {  	_ =	strace s8  }
0x9a: {  	s8 =	sld [smem:$0x3FFD];
	_ =	sdelay $0x3  }
0x9b: {  	_ =	strace s8  }
0x9c: {  	_ =	strace $0x8FFFFFFF  }
0x9d: {  	s19 =	sld [smem:$0x3FDB];
	_ =	sdelay $0x1  }
0x9e: {  	s9 =	simm.s32 $_scs_section_size  }
0x9f: {  	s10 =	simm.s32 $_size__tile_overlayer_lowered;
	s11 =	simm.s32 $_tile_overlayer_lowered  }
0xa0: {  	s22 =	simm.s32 $0x1BFF;
	s21 =	sshll.u32 s11, $0x1;
	s8 =	sadd.s32 s9, s19  }
0xa1: {  	s12 =	simm.s32 $0x0;
	s20 =	sshll.u32 s10, $0x1;
	s10 =	sadd.s32 s21, s8  }
0xa2: {  	[timem:s12], [sflag:s22] =	dma.local [hbm:s10], s20  }
0xa3: {  	_ =	swait.ge [sflag:s22], s20  }
0xa4: {  	s9 =	ssub.s32 $0x0, s20;
	[sflag:s22] =	ssyncset.done $0x0  }
0xa5: {  	[sflag:s22] =	ssyncadd.s32 s9;
	_ =	sdelay $0x1  }
0xa6: {  	s23 =	simm.s32 $0x1B8B  }
0xa7: {  	_ =	swait.ge [sflag:s23], $0x1  }
0xa8: {  	[sflag:s23] =	ssyncset.done $0x0  }
0xa9: {  	s25 =	simm.s32 $0x1B8E;
	s24 =	sld [smem:$0x3FFE];
	[sflag:s23] =	ssyncadd.s32 $0xFFFFFFFF  }
0xaa: {  	s26 =	simm.s32 $execute0_lowered;
	[smem:$0x3FD2] =	sst s25  }
0xab: {  	s10 =	sshll.u32 s26, $0x1;
	_ =	strace $0x80000046;
	[dreg:$0x1] =	wrdreg $0xFFFFFFFF  }
0xac: {  	s28 =	simm.s32 $_size_execute0_lowered;
	s8 =	sadd.s32 s8, s10;
	[dreg:$0x0] =	wrdreg $0x0  }
0xad: {  	s10 =	sshll.u32 s28, $0x1;
	[dreg:$0x2] =	wrdreg s8  }
0xae: {  	[dreg:$0x3] =	wrdreg s10  }
0xaf: {  	[dreg:$0x4] =	wrdreg $0xC0  }
0xb0: {  	_ =	task [dreg:s12], $0x5FFFF  }
0xb1: {  	[dreg:$0x1] =	wrdreg $0xFFFFFFFF  }
0xb2: {  	[dreg:$0x0] =	wrdreg $0x60  }
0xb3: {  	[dreg:$0x2] =	wrdreg s2  }
0xb4: {  	[dreg:$0x3] =	wrdreg s18  }
0xb5: {  	[dreg:$0x4] =	wrdreg s4  }
0xb6: {  	[dreg:$0x5] =	wrdreg s24  }
0xb7: {  	[dreg:$0x6] =	wrdreg s5  }
0xb8: {  	[dreg:$0x7] =	wrdreg s6  }
0xb9: {  	[dreg:$0x8] =	wrdreg s7  }
0xba: {  	[dreg:$0x9] =	wrdreg $0x9  }
0xbb: {  	_ =	task.clear_ibuf [dreg:s12], $0xAFFFF;
	_ =	strace $0x90000046  }
0xbc: {  	s29 =	simm.s32 $0x9;
	_ =	strace $0x80000048  }
0xbd: {  	_ =	swait.ge [sflag:s29], $0x1  }
0xbe: {  	[sflag:s29] =	ssyncadd.s32 $0xFFFFFFFF  }
0xbf: {  	_ =	strace $0x90000048  }
0xc0: {  	_ =	sfence  }
0xc1: {  	s30 =	sld [smem:$0x0];
	_ =	sdelay $0x2  }
0xc2: {  	s31 =	sshll.u32 s1, $0xD;
	s1 =	sshrl.u32 s1, $0x2  }
0xc3: {  	s3 =	sand.u32 $0x4000, s31;
	s1 =	sadd.s32 s1, s30  }
0xc4: {  	s0 =	sor.u32 s3, s0;
	s1 =	sshll.u32 s1, $0x11  }
0xc5: {  	s0 =	sor.u32 s1, s0  }
0xc6: {  	s0 =	sadd.s32 $0x8F2B, s0  }
0xc7: {  	[sflag:s0] =	ssyncadd.remote.s32 $0x1  }
0xc8: {  	_ =	sfence.sel $0xFFFF  }
0xc9: {  	[dreg:$0x0] =	wrdreg $0xFFFFFFFF;
	(pc) =	sbr.abs _section_cstart, $3  }
0xca: {  	[dreg:$0x1] =	wrdreg $0xFFFFFFFF  }
0xcb: {  	_ =	task.clear_ibuf [dreg:s12], $0x2FFFF;
	_ =	strace $0x9FFFFFFF  }
0xcc: {  	(tm) =	ssettm $0x7FFFFFFF  }
0xcd: {  	_ =	shalt  }
tec
execute0_lowered:
.L_overlay_start_1:
0x0: {  	(tag) =	ssettag $0x1  }
0x1: {  	s0 =	rddreg [dreg:$0x0]  }
0x2: {  	s1 =	rddreg [dreg:$0x1]  }
0x3: {  	s2 =	rddreg [dreg:$0x2]  }
0x4: {  	s4 =	rddreg [dreg:$0x3]  }
0x5: {  	s11 =	rddreg [dreg:$0x6];
	s3 =	simm.s32 $0x0  }
0x6: {  	s6 =	srdreg.scid;
	s7 =	stileid.u32;
	s13 =	simm.s32 $0x2  }
0x7: {  	s14 =	simm.s32 $0x200;
	s17 =	simm.s32 $0x80;
	s20 =	simm.s32 $0x10400  }
0x8: {  	s22 =	simm.s32 $0x280;
	s28 =	simm.s32 $0x300;
	s29 =	simm.s32 $0xC400  }
0x9: {  	s30 =	simm.s32 $0x10C00;
	s31 =	simm.s32 $0x180;
	s15 =	simm.s32 $0x1  }
0xa: {  	v16 =	vlaneseq.u32;
	s16 =	simm.s32 $0x11800;
	s18 =	simm.s32 $0x11600;
	s19 =	simm.s32 $0x0  }
0xb: {  	[smem:$0x7FF] =	sst s3;
	s5 =	sadd.s32 $0x264800, s4;
	s6 =	sand.u32 $0x1, s6;
	v0 =	vmul.u32 $0x10, v16  }
0xc: {  	s7 =	sshll.u32 s7, $0x7;
	v16 =	vmul.u32 $0x8, v16;
	_ =	strace $0x80000047;
	s8 =	ssub.s32 $0x2, s6  }
0xd: {  	s9 =	sshll.u32 s6, $0x6;
	s6 =	sadd.s32 $0x1A1200, s4;
	s10 =	sshrl.u32 s8, $0x1;
	v1 =	vor.u32 $0x1, v0;
	v2 =	vor.u32 $0x2, v0;
	v3 =	vor.u32 $0x3, v0  }
0xe: {  	s12 =	sor.u32 s9, s7;
	s7 =	sadd.s32 $0x2000, s4;
	v4 =	vor.u32 $0x4, v0;
	v5 =	vor.u32 $0x5, v0;
	v6 =	vor.u32 $0x6, v0;
	s4 =	simm.s32 $0x380  }
0xf: {  	v7 =	vor.u32 $0x7, v0;
	v8 =	vor.u32 $0x8, v0;
	v9 =	vor.u32 $0x9, v0;
	s26 =	ssub.s32 s8, s10;
	s8 =	sadd.s32 s0, s12;
	s9 =	sadd.s32 s1, s12  }
0x10: {  	v10 =	vor.u32 $0xA, v0;
	v11 =	vor.u32 $0xB, v0;
	v12 =	vor.u32 $0xC, v0;
	s10 =	sadd.s32 s2, s12;
	s11 =	sadd.s32 s11, s12;
	s0 =	simm.s32 $0x6400  }
0x11: {  	v13 =	vor.u32 $0xD, v0;
	v14 =	vor.u32 $0xE, v0;
	v15 =	vor.u32 $0xF, v0;
	s1 =	simm.s32 $0xE400;
	s2 =	simm.s32 $0x11000;
	s12 =	smax.u32 s26, $0x1  }
.LBB2_1:
0x12: {  	[tilespmem:s3], [sflag:$0x2] =	stream.linear.gather [hbm4b:s8+s3], $0x200, $0x38;
	[tilespmem:$0x11920] =	vst v63  }
0x13: {  	_ =	swait.ge [sflag:s13], $0x200  }
0x14: {  	[sflag:s13] =	ssyncset.done $0x0  }
0x15: {  	[sflag:s13] =	ssyncadd.s32 $0xFFFFFE00  }
0x16: {  	[tilespmem:s14], [sflag:$0x2] =	stream.linear.gather [hbm4b:s9+s3], $0x200, $0x38;
	[tilespmem:$0x11920] =	vst v63  }
0x17: {  	_ =	swait.ge [sflag:s13], $0x200  }
0x18: {  	[sflag:s13] =	ssyncset.done $0x0  }
0x19: {  	s21 =	simm.s32 $0x11400;
	[sflag:s13] =	ssyncadd.s32 $0xFFFFFE00  }
0x1a: {  	[tilespmem:s21], [sflag:$0x2] =	stream.linear.gather [hbm4b:s10+s3], $0x200, $0x38;
	[tilespmem:$0x11920] =	vst v63  }
0x1b: {  	_ =	swait.ge [sflag:s13], $0x200  }
0x1c: {  	[sflag:s13] =	ssyncset.done $0x0  }
0x1d: {  	[sflag:s13] =	ssyncadd.s32 $0xFFFFFE00  }
0x1e: {  	s24 =	simm.s32 $0x11900;
	s23 =	rddreg [dreg:$0x4]  }
0x1f: {  	[tilespmem:s24], [sflag:$0x2] =	stream.linear.gather [hbm4b:s23+s3], $0x10, $0x38;
	[tilespmem:$0x11920] =	vst v63  }
0x20: {  	_ =	swait.ge [sflag:s13], $0x10  }
0x21: {  	[sflag:s13] =	ssyncset.done $0x0  }
0x22: {  	[sflag:s13] =	ssyncadd.s32 $0xFFFFFFF0  }
0x23: {  	s25 =	simm.s32 $0x11910;
	s24 =	rddreg [dreg:$0x5]  }
0x24: {  	[tilespmem:s25], [sflag:$0x2] =	stream.linear.gather [hbm4b:s24+s3], $0x10, $0x38;
	[tilespmem:$0x11920] =	vst v63  }
0x25: {  	_ =	swait.ge [sflag:s13], $0x10  }
0x26: {  	[sflag:s13] =	ssyncset.done $0x0  }
0x27: {  	s26 =	simm.s32 $0x400;
	[sflag:s13] =	ssyncadd.s32 $0xFFFFFFF0  }
0x28: {  	[tilespmem:s26], [sflag:$0x1] =	stream.indirect.gather [hbm4b:s5+s17], $0x40, s3, s17, $0xb8;
	[tilespmem:$0x11920] =	vst v63  }
0x29: {  	s24 =	simm.s32 $0x8400  }
0x2a: {  	[tilespmem:s24], [sflag:$0x1] =	stream.indirect.gather [hbm4b:s6+s17], $0x40, s14, s17, $0xb8;
	[tilespmem:$0x11920] =	vst v63  }
0x2b: {  	_ = 	snop  }
0x2c: {  	[tilespmem:s20], [sflag:$0x1] =	stream.indirect.gather [hbm4b:s7+s17], $0x1, s14, s17, $0xb8;
	[tilespmem:$0x11920] =	vst v63  }
0x2d: {  	s25 =	simm.s32 $0x2400  }
0x2e: {  	[tilespmem:s25], [sflag:$0x1] =	stream.indirect.gather [hbm4b:s5+s17], $0x40, s17, s17, $0xb8;
	[tilespmem:$0x11920] =	vst v63  }
0x2f: {  	s26 =	simm.s32 $0xA400  }
0x30: {  	[tilespmem:s26], [sflag:$0x1] =	stream.indirect.gather [hbm4b:s6+s17], $0x40, s22, s17, $0xb8;
	[tilespmem:$0x11920] =	vst v63  }
0x31: {  	s24 =	simm.s32 $0x10800  }
0x32: {  	[tilespmem:s24], [sflag:$0x1] =	stream.indirect.gather [hbm4b:s7+s17], $0x1, s22, s17, $0xb8;
	[tilespmem:$0x11920] =	vst v63  }
0x33: {  	s25 =	simm.s32 $0x100;
	s26 =	simm.s32 $0x4400  }
0x34: {  	[tilespmem:s26], [sflag:$0x1] =	stream.indirect.gather [hbm4b:s5+s17], $0x40, s25, s17, $0xb8;
	[tilespmem:$0x11920] =	vst v63  }
0x35: {  	_ = 	snop  }
0x36: {  	[tilespmem:s29], [sflag:$0x1] =	stream.indirect.gather [hbm4b:s6+s17], $0x40, s28, s17, $0xb8;
	[tilespmem:$0x11920] =	vst v63  }
0x37: {  	_ = 	snop  }
0x38: {  	[tilespmem:s30], [sflag:$0x1] =	stream.indirect.gather [hbm4b:s7+s17], $0x1, s28, s17, $0xb8;
	[tilespmem:$0x11920] =	vst v63  }
0x39: {  	_ = 	snop  }
0x3a: {  	[tilespmem:s0], [sflag:$0x1] =	stream.indirect.gather [hbm4b:s5+s17], $0x40, s31, s17, $0xb8;
	[tilespmem:$0x11920] =	vst v63  }
0x3b: {  	_ = 	snop  }
0x3c: {  	[tilespmem:s1], [sflag:$0x1] =	stream.indirect.gather [hbm4b:s6+s17], $0x40, s4, s17, $0xb8;
	[tilespmem:$0x11920] =	vst v63  }
0x3d: {  	_ = 	snop  }
0x3e: {  	[tilespmem:s2], [sflag:$0x1] =	stream.indirect.gather [hbm4b:s7+s17], $0x1, s4, s17, $0xb8;
	[tilespmem:$0x11920] =	vst v63  }
0x3f: {  	_ =	swait.ge [sflag:s15], $0x2000  }
0x40: {  	[sflag:s15] =	ssyncset.done $0x0  }
0x41: {  	[sflag:s15] =	ssyncadd.s32 $0xFFFFE000  }
0x42: {  	_ =	swait.ge [sflag:s15], $0x2000  }
0x43: {  	[sflag:s15] =	ssyncset.done $0x0  }
0x44: {  	[sflag:s15] =	ssyncadd.s32 $0xFFFFE000  }
0x45: {  	_ =	swait.ge [sflag:s15], $0x80  }
0x46: {  	[sflag:s15] =	ssyncset.done $0x0  }
0x47: {  	[sflag:s15] =	ssyncadd.s32 $0xFFFFFF80  }
0x48: {  	_ =	swait.ge [sflag:s15], $0x2000  }
0x49: {  	[sflag:s15] =	ssyncset.done $0x0  }
0x4a: {  	[sflag:s15] =	ssyncadd.s32 $0xFFFFE000  }
0x4b: {  	_ =	swait.ge [sflag:s15], $0x2000  }
0x4c: {  	[sflag:s15] =	ssyncset.done $0x0  }
0x4d: {  	[sflag:s15] =	ssyncadd.s32 $0xFFFFE000  }
0x4e: {  	_ =	swait.ge [sflag:s15], $0x80  }
0x4f: {  	[sflag:s15] =	ssyncset.done $0x0  }
0x50: {  	[sflag:s15] =	ssyncadd.s32 $0xFFFFFF80  }
0x51: {  	_ =	swait.ge [sflag:s15], $0x2000  }
0x52: {  	[sflag:s15] =	ssyncset.done $0x0  }
0x53: {  	[sflag:s15] =	ssyncadd.s32 $0xFFFFE000  }
0x54: {  	_ =	swait.ge [sflag:s15], $0x2000  }
0x55: {  	[sflag:s15] =	ssyncset.done $0x0  }
0x56: {  	[sflag:s15] =	ssyncadd.s32 $0xFFFFE000  }
0x57: {  	_ =	swait.ge [sflag:s15], $0x80  }
0x58: {  	[sflag:s15] =	ssyncset.done $0x0  }
0x59: {  	[sflag:s15] =	ssyncadd.s32 $0xFFFFFF80  }
0x5a: {  	_ =	swait.ge [sflag:s15], $0x2000  }
0x5b: {  	[sflag:s15] =	ssyncset.done $0x0  }
0x5c: {  	[sflag:s15] =	ssyncadd.s32 $0xFFFFE000  }
0x5d: {  	_ =	swait.ge [sflag:s15], $0x2000  }
0x5e: {  	[sflag:s15] =	ssyncset.done $0x0  }
0x5f: {  	[sflag:s15] =	ssyncadd.s32 $0xFFFFE000  }
0x60: {  	_ =	swait.ge [sflag:s15], $0x80  }
0x61: {  	[sflag:s15] =	ssyncset.done $0x0  }
0x62: {  	[sflag:s15] =	ssyncadd.s32 $0xFFFFFF80  }
0x63: {  	s23 =	simm.s32 $0x600;
	v17 =	vld [tilespmem:$0x11900]  }
0x64: {  	s24 =	simm.s32 $0x8600;
	s25 =	simm.s32 $0x11600;
	s26 =	simm.s32 $0x0;
	v18 =	vld [tilespmem:$0x11910]  }
.LBB2_2:
0x65: {  	v19 =	vld [tilespmem:s24+$0xFFFFFE00];
	_ =	sdelay $0x4  }
0x66: {  	v19 =	vsub.f32 $0.0e+00, v19;
	_ =	sdelay $0x1  }
0x67: {  	v19 =	vmul.f32 $1.442695020e+00, v19;
	_ =	sdelay $0x1  }
0x68: {  	(erf) = vpow2.f32 v19;
	_ =	sdelay $0x3  }
0x69: {  	v19 =	vld [tilespmem:s24+$0xFFFFFE10];
	_ =	sdelay $0x4  }
0x6a: {  	v19 =	vsub.f32 $0.0e+00, v19;
	v20 =	vpop (erf)  }
0x6b: {  	v20 =	vadd.f32 $1.000000000e+00, v20  }
0x6c: {  	v19 =	vmul.f32 $1.442695020e+00, v19  }
0x6d: {  	(erf) = vrcp.f32 v20  }
0x6e: {  	(erf) = vpow2.f32 v19;
	_ =	sdelay $0x3  }
0x6f: {  	v19 =	vld [tilespmem:s24+$0xFFFFFE20];
	_ =	sdelay $0x3  }
0x70: {  	v20 =	vpop (erf)  }
0x71: {  	v19 =	vsub.f32 $0.0e+00, v19;
	v21 =	vpop (erf)  }
0x72: {  	v21 =	vadd.f32 $1.000000000e+00, v21  }
0x73: {  	v19 =	vmul.f32 $1.442695020e+00, v19  }
0x74: {  	(erf) = vrcp.f32 v21  }
0x75: {  	(erf) = vpow2.f32 v19;
	_ =	sdelay $0x3  }
0x76: {  	v19 =	vld [tilespmem:s24+$0xFFFFFE30];
	_ =	sdelay $0x3  }
0x77: {  	v21 =	vpop (erf)  }
0x78: {  	v19 =	vsub.f32 $0.0e+00, v19;
	v22 =	vpop (erf)  }
0x79: {  	v22 =	vadd.f32 $1.000000000e+00, v22  }
0x7a: {  	v19 =	vmul.f32 $1.442695020e+00, v19  }
0x7b: {  	(erf) = vrcp.f32 v22  }
0x7c: {  	(erf) = vpow2.f32 v19;
	_ =	sdelay $0x7  }
0x7d: {  	v19 =	vpop (erf)  }
0x7e: {  	v46 =	vpop (erf)  }
0x7f: {  	v22 =	vadd.f32 $1.000000000e+00, v46;
	_ =	sdelay $0x1  }
0x80: {  	v23 =	vld [tilespmem:s23+$0xFFFFFE00];
	(erf) = vrcp.f32 v22  }
0x81: {  	v47 =	vld [tilespmem:s23+$0xFFFFFE10];
	_ =	sdelay $0x1  }
0x82: {  	v24 =	vld [tilespmem:s23+$0xFFFFFE20];
	_ =	sdelay $0x1  }
0x83: {  	v25 =	vld [tilespmem:s23+$0xFFFFFE30]  }
0x84: {  	v20 =	vmul.f32 v20, v23;
	v21 =	vmul.f32 v21, v47;
	_ =	sdelay $0x1  }
0x85: {  	v20 =	vadd.f32 v21, v20;
	v19 =	vmul.f32 v19, v24  }
0x86: {  	v48 =	vpop (erf)  }
0x87: {  	v19 =	vadd.f32 v19, v20;
	v20 =	vmul.f32 v48, v25;
	_ =	sdelay $0x1  }
0x88: {  	v19 =	vadd.f32 v20, v19;
	_ =	sdelay $0x1  }
0x89: {  	[tilespmem:$0x11800] =	vst v19  }
0x8a: {  	v19 =	vld [tilespmem:s24+$0xFFFFFE40];
	_ =	sdelay $0x4  }
0x8b: {  	v19 =	vsub.f32 $0.0e+00, v19;
	_ =	sdelay $0x1  }
0x8c: {  	v19 =	vmul.f32 $1.442695020e+00, v19;
	_ =	sdelay $0x1  }
0x8d: {  	(erf) = vpow2.f32 v19;
	_ =	sdelay $0x3  }
0x8e: {  	v19 =	vld [tilespmem:s24+$0xFFFFFE50];
	_ =	sdelay $0x4  }
0x8f: {  	v19 =	vsub.f32 $0.0e+00, v19;
	v20 =	vpop (erf)  }
0x90: {  	v20 =	vadd.f32 $1.000000000e+00, v20  }
0x91: {  	v19 =	vmul.f32 $1.442695020e+00, v19  }
0x92: {  	(erf) = vrcp.f32 v20  }
0x93: {  	(erf) = vpow2.f32 v19;
	_ =	sdelay $0x3  }
0x94: {  	v19 =	vld [tilespmem:s24+$0xFFFFFE60];
	_ =	sdelay $0x3  }
0x95: {  	v20 =	vpop (erf)  }
0x96: {  	v19 =	vsub.f32 $0.0e+00, v19;
	v49 =	vpop (erf)  }
0x97: {  	v21 =	vadd.f32 $1.000000000e+00, v49  }
0x98: {  	v19 =	vmul.f32 $1.442695020e+00, v19  }
0x99: {  	(erf) = vrcp.f32 v21  }
0x9a: {  	(erf) = vpow2.f32 v19;
	_ =	sdelay $0x3  }
0x9b: {  	v19 =	vld [tilespmem:s24+$0xFFFFFE70];
	_ =	sdelay $0x3  }
0x9c: {  	v21 =	vpop (erf)  }
0x9d: {  	v19 =	vsub.f32 $0.0e+00, v19;
	v50 =	vpop (erf)  }
0x9e: {  	v22 =	vadd.f32 $1.000000000e+00, v50  }
0x9f: {  	v19 =	vmul.f32 $1.442695020e+00, v19  }
0xa0: {  	(erf) = vrcp.f32 v22  }
0xa1: {  	(erf) = vpow2.f32 v19;
	_ =	sdelay $0x7  }
0xa2: {  	v19 =	vpop (erf)  }
0xa3: {  	v51 =	vpop (erf)  }
0xa4: {  	v22 =	vadd.f32 $1.000000000e+00, v51;
	_ =	sdelay $0x1  }
0xa5: {  	v52 =	vld [tilespmem:s23+$0xFFFFFE40];
	(erf) = vrcp.f32 v22  }
0xa6: {  	v53 =	vld [tilespmem:s23+$0xFFFFFE50];
	_ =	sdelay $0x1  }
0xa7: {  	v54 =	vld [tilespmem:s23+$0xFFFFFE60];
	_ =	sdelay $0x1  }
0xa8: {  	v55 =	vld [tilespmem:s23+$0xFFFFFE70]  }
0xa9: {  	v20 =	vmul.f32 v20, v52;
	v21 =	vmul.f32 v21, v53;
	_ =	sdelay $0x1  }
0xaa: {  	v20 =	vadd.f32 v21, v20;
	v19 =	vmul.f32 v19, v54  }
0xab: {  	v56 =	vpop (erf)  }
0xac: {  	v19 =	vadd.f32 v19, v20;
	v20 =	vmul.f32 v56, v55;
	_ =	sdelay $0x1  }
0xad: {  	v19 =	vadd.f32 v20, v19;
	_ =	sdelay $0x1  }
0xae: {  	[tilespmem:$0x11810] =	vst v19  }
0xaf: {  	v19 =	vld [tilespmem:s24+$0xFFFFFE80];
	_ =	sdelay $0x4  }
0xb0: {  	v19 =	vsub.f32 $0.0e+00, v19;
	_ =	sdelay $0x1  }
0xb1: {  	v19 =	vmul.f32 $1.442695020e+00, v19;
	_ =	sdelay $0x1  }
0xb2: {  	(erf) = vpow2.f32 v19;
	_ =	sdelay $0x3  }
0xb3: {  	v19 =	vld [tilespmem:s24+$0xFFFFFE90];
	_ =	sdelay $0x4  }
0xb4: {  	v19 =	vsub.f32 $0.0e+00, v19;
	v20 =	vpop (erf)  }
0xb5: {  	v20 =	vadd.f32 $1.000000000e+00, v20  }
0xb6: {  	v19 =	vmul.f32 $1.442695020e+00, v19  }
0xb7: {  	(erf) = vrcp.f32 v20  }
0xb8: {  	(erf) = vpow2.f32 v19;
	_ =	sdelay $0x3  }
0xb9: {  	v19 =	vld [tilespmem:s24+$0xFFFFFEA0];
	_ =	sdelay $0x3  }
0xba: {  	v20 =	vpop (erf)  }
0xbb: {  	v19 =	vsub.f32 $0.0e+00, v19;
	v57 =	vpop (erf)  }
0xbc: {  	v21 =	vadd.f32 $1.000000000e+00, v57  }
0xbd: {  	v19 =	vmul.f32 $1.442695020e+00, v19  }
0xbe: {  	(erf) = vrcp.f32 v21  }
0xbf: {  	(erf) = vpow2.f32 v19;
	_ =	sdelay $0x3  }
0xc0: {  	v19 =	vld [tilespmem:s24+$0xFFFFFEB0];
	_ =	sdelay $0x3  }
0xc1: {  	v21 =	vpop (erf)  }
0xc2: {  	v19 =	vsub.f32 $0.0e+00, v19;
	v58 =	vpop (erf)  }
0xc3: {  	v22 =	vadd.f32 $1.000000000e+00, v58  }
0xc4: {  	v19 =	vmul.f32 $1.442695020e+00, v19  }
0xc5: {  	(erf) = vrcp.f32 v22  }
0xc6: {  	(erf) = vpow2.f32 v19;
	_ =	sdelay $0x7  }
0xc7: {  	v19 =	vpop (erf)  }
0xc8: {  	v59 =	vpop (erf)  }
0xc9: {  	v22 =	vadd.f32 $1.000000000e+00, v59;
	_ =	sdelay $0x1  }
0xca: {  	v60 =	vld [tilespmem:s23+$0xFFFFFE80];
	(erf) = vrcp.f32 v22  }
0xcb: {  	v61 =	vld [tilespmem:s23+$0xFFFFFE90];
	_ =	sdelay $0x1  }
0xcc: {  	v62 =	vld [tilespmem:s23+$0xFFFFFEA0];
	_ =	sdelay $0x1  }
0xcd: {  	v63 =	vld [tilespmem:s23+$0xFFFFFEB0]  }
0xce: {  	v20 =	vmul.f32 v20, v60;
	v21 =	vmul.f32 v21, v61;
	_ =	sdelay $0x1  }
0xcf: {  	v20 =	vadd.f32 v21, v20;
	v19 =	vmul.f32 v19, v62  }
0xd0: {  	v24 =	vpop (erf)  }
0xd1: {  	v19 =	vadd.f32 v19, v20;
	v20 =	vmul.f32 v24, v63;
	_ =	sdelay $0x1  }
0xd2: {  	v19 =	vadd.f32 v20, v19;
	_ =	sdelay $0x1  }
0xd3: {  	[tilespmem:$0x11820] =	vst v19  }
0xd4: {  	v19 =	vld [tilespmem:s24+$0xFFFFFEC0];
	_ =	sdelay $0x4  }
0xd5: {  	v19 =	vsub.f32 $0.0e+00, v19;
	_ =	sdelay $0x1  }
0xd6: {  	v19 =	vmul.f32 $1.442695020e+00, v19;
	_ =	sdelay $0x1  }
0xd7: {  	(erf) = vpow2.f32 v19;
	_ =	sdelay $0x3  }
0xd8: {  	v19 =	vld [tilespmem:s24+$0xFFFFFED0];
	_ =	sdelay $0x4  }
0xd9: {  	v19 =	vsub.f32 $0.0e+00, v19;
	v20 =	vpop (erf)  }
0xda: {  	v20 =	vadd.f32 $1.000000000e+00, v20  }
0xdb: {  	v19 =	vmul.f32 $1.442695020e+00, v19  }
0xdc: {  	(erf) = vrcp.f32 v20  }
0xdd: {  	(erf) = vpow2.f32 v19;
	_ =	sdelay $0x3  }
0xde: {  	v19 =	vld [tilespmem:s24+$0xFFFFFEE0];
	_ =	sdelay $0x3  }
0xdf: {  	v20 =	vpop (erf)  }
0xe0: {  	v19 =	vsub.f32 $0.0e+00, v19;
	v25 =	vpop (erf)  }
0xe1: {  	v21 =	vadd.f32 $1.000000000e+00, v25  }
0xe2: {  	v19 =	vmul.f32 $1.442695020e+00, v19  }
0xe3: {  	(erf) = vrcp.f32 v21  }
0xe4: {  	(erf) = vpow2.f32 v19;
	_ =	sdelay $0x3  }
0xe5: {  	v19 =	vld [tilespmem:s24+$0xFFFFFEF0];
	_ =	sdelay $0x3  }
0xe6: {  	v21 =	vpop (erf)  }
0xe7: {  	v19 =	vsub.f32 $0.0e+00, v19;
	v26 =	vpop (erf)  }
0xe8: {  	v22 =	vadd.f32 $1.000000000e+00, v26  }
0xe9: {  	v19 =	vmul.f32 $1.442695020e+00, v19  }
0xea: {  	(erf) = vrcp.f32 v22  }
0xeb: {  	(erf) = vpow2.f32 v19;
	_ =	sdelay $0x7  }
0xec: {  	v19 =	vpop (erf)  }
0xed: {  	v27 =	vpop (erf)  }
0xee: {  	v22 =	vadd.f32 $1.000000000e+00, v27;
	_ =	sdelay $0x1  }
0xef: {  	v28 =	vld [tilespmem:s23+$0xFFFFFEC0];
	(erf) = vrcp.f32 v22  }
0xf0: {  	v29 =	vld [tilespmem:s23+$0xFFFFFED0];
	_ =	sdelay $0x1  }
0xf1: {  	v30 =	vld [tilespmem:s23+$0xFFFFFEE0];
	_ =	sdelay $0x1  }
0xf2: {  	v31 =	vld [tilespmem:s23+$0xFFFFFEF0]  }
0xf3: {  	v20 =	vmul.f32 v20, v28;
	v21 =	vmul.f32 v21, v29;
	_ =	sdelay $0x1  }
0xf4: {  	v20 =	vadd.f32 v21, v20;
	v19 =	vmul.f32 v19, v30  }
0xf5: {  	v32 =	vpop (erf)  }
0xf6: {  	v19 =	vadd.f32 v19, v20;
	v20 =	vmul.f32 v32, v31;
	_ =	sdelay $0x1  }
0xf7: {  	v19 =	vadd.f32 v20, v19;
	_ =	sdelay $0x1  }
0xf8: {  	[tilespmem:$0x11830] =	vst v19  }
0xf9: {  	v19 =	vld [tilespmem:s24+$0xFFFFFF00];
	_ =	sdelay $0x4  }
0xfa: {  	v19 =	vsub.f32 $0.0e+00, v19;
	_ =	sdelay $0x1  }
0xfb: {  	v19 =	vmul.f32 $1.442695020e+00, v19;
	_ =	sdelay $0x1  }
0xfc: {  	(erf) = vpow2.f32 v19;
	_ =	sdelay $0x3  }
0xfd: {  	v19 =	vld [tilespmem:s24+$0xFFFFFF10];
	_ =	sdelay $0x4  }
0xfe: {  	v19 =	vsub.f32 $0.0e+00, v19;
	v20 =	vpop (erf)  }
0xff: {  	v20 =	vadd.f32 $1.000000000e+00, v20  }
0x100: {  	v19 =	vmul.f32 $1.442695020e+00, v19  }
0x101: {  	(erf) = vrcp.f32 v20  }
0x102: {  	(erf) = vpow2.f32 v19;
	_ =	sdelay $0x3  }
0x103: {  	v19 =	vld [tilespmem:s24+$0xFFFFFF20];
	_ =	sdelay $0x3  }
0x104: {  	v20 =	vpop (erf)  }
0x105: {  	v19 =	vsub.f32 $0.0e+00, v19;
	v33 =	vpop (erf)  }
0x106: {  	v21 =	vadd.f32 $1.000000000e+00, v33  }
0x107: {  	v19 =	vmul.f32 $1.442695020e+00, v19  }
0x108: {  	(erf) = vrcp.f32 v21  }
0x109: {  	(erf) = vpow2.f32 v19;
	_ =	sdelay $0x3  }
0x10a: {  	v19 =	vld [tilespmem:s24+$0xFFFFFF30];
	_ =	sdelay $0x3  }
0x10b: {  	v21 =	vpop (erf)  }
0x10c: {  	v19 =	vsub.f32 $0.0e+00, v19;
	v34 =	vpop (erf)  }
0x10d: {  	v22 =	vadd.f32 $1.000000000e+00, v34  }
0x10e: {  	v19 =	vmul.f32 $1.442695020e+00, v19  }
0x10f: {  	(erf) = vrcp.f32 v22  }
0x110: {  	(erf) = vpow2.f32 v19;
	_ =	sdelay $0x7  }
0x111: {  	v19 =	vpop (erf)  }
0x112: {  	v35 =	vpop (erf)  }
0x113: {  	v22 =	vadd.f32 $1.000000000e+00, v35;
	_ =	sdelay $0x1  }
0x114: {  	v36 =	vld [tilespmem:s23+$0xFFFFFF00];
	(erf) = vrcp.f32 v22  }
0x115: {  	v37 =	vld [tilespmem:s23+$0xFFFFFF10];
	_ =	sdelay $0x1  }
0x116: {  	v38 =	vld [tilespmem:s23+$0xFFFFFF20];
	_ =	sdelay $0x1  }
0x117: {  	v39 =	vld [tilespmem:s23+$0xFFFFFF30]  }
0x118: {  	v20 =	vmul.f32 v20, v36;
	v21 =	vmul.f32 v21, v37;
	_ =	sdelay $0x1  }
0x119: {  	v20 =	vadd.f32 v21, v20;
	v19 =	vmul.f32 v19, v38  }
0x11a: {  	v40 =	vpop (erf)  }
0x11b: {  	v19 =	vadd.f32 v19, v20;
	v20 =	vmul.f32 v40, v39;
	_ =	sdelay $0x1  }
0x11c: {  	v19 =	vadd.f32 v20, v19;
	_ =	sdelay $0x1  }
0x11d: {  	[tilespmem:$0x11840] =	vst v19  }
0x11e: {  	v19 =	vld [tilespmem:s24+$0xFFFFFF40];
	_ =	sdelay $0x4  }
0x11f: {  	v19 =	vsub.f32 $0.0e+00, v19;
	_ =	sdelay $0x1  }
0x120: {  	v19 =	vmul.f32 $1.442695020e+00, v19;
	_ =	sdelay $0x1  }
0x121: {  	(erf) = vpow2.f32 v19;
	_ =	sdelay $0x3  }
0x122: {  	v19 =	vld [tilespmem:s24+$0xFFFFFF50];
	_ =	sdelay $0x4  }
0x123: {  	v19 =	vsub.f32 $0.0e+00, v19;
	v20 =	vpop (erf)  }
0x124: {  	v20 =	vadd.f32 $1.000000000e+00, v20  }
0x125: {  	v19 =	vmul.f32 $1.442695020e+00, v19  }
0x126: {  	(erf) = vrcp.f32 v20  }
0x127: {  	(erf) = vpow2.f32 v19;
	_ =	sdelay $0x3  }
0x128: {  	v19 =	vld [tilespmem:s24+$0xFFFFFF60];
	_ =	sdelay $0x3  }
0x129: {  	v20 =	vpop (erf)  }
0x12a: {  	v19 =	vsub.f32 $0.0e+00, v19;
	v41 =	vpop (erf)  }
0x12b: {  	v21 =	vadd.f32 $1.000000000e+00, v41  }
0x12c: {  	v19 =	vmul.f32 $1.442695020e+00, v19  }
0x12d: {  	(erf) = vrcp.f32 v21  }
0x12e: {  	(erf) = vpow2.f32 v19;
	_ =	sdelay $0x3  }
0x12f: {  	v19 =	vld [tilespmem:s24+$0xFFFFFF70];
	_ =	sdelay $0x3  }
0x130: {  	v21 =	vpop (erf)  }
0x131: {  	v19 =	vsub.f32 $0.0e+00, v19;
	v42 =	vpop (erf)  }
0x132: {  	v22 =	vadd.f32 $1.000000000e+00, v42  }
0x133: {  	v19 =	vmul.f32 $1.442695020e+00, v19  }
0x134: {  	(erf) = vrcp.f32 v22  }
0x135: {  	(erf) = vpow2.f32 v19;
	_ =	sdelay $0x7  }
0x136: {  	v19 =	vpop (erf)  }
0x137: {  	v43 =	vpop (erf)  }
0x138: {  	v22 =	vadd.f32 $1.000000000e+00, v43;
	_ =	sdelay $0x1  }
0x139: {  	v44 =	vld [tilespmem:s23+$0xFFFFFF40];
	(erf) = vrcp.f32 v22  }
0x13a: {  	v45 =	vld [tilespmem:s23+$0xFFFFFF50];
	_ =	sdelay $0x1  }
0x13b: {  	v46 =	vld [tilespmem:s23+$0xFFFFFF60];
	_ =	sdelay $0x1  }
0x13c: {  	v47 =	vld [tilespmem:s23+$0xFFFFFF70]  }
0x13d: {  	v20 =	vmul.f32 v20, v44;
	v21 =	vmul.f32 v21, v45;
	_ =	sdelay $0x1  }
0x13e: {  	v20 =	vadd.f32 v21, v20;
	v19 =	vmul.f32 v19, v46  }
0x13f: {  	v48 =	vpop (erf)  }
0x140: {  	v19 =	vadd.f32 v19, v20;
	v20 =	vmul.f32 v48, v47;
	_ =	sdelay $0x1  }
0x141: {  	v19 =	vadd.f32 v20, v19;
	_ =	sdelay $0x1  }
0x142: {  	[tilespmem:$0x11850] =	vst v19  }
0x143: {  	v19 =	vld [tilespmem:s24+$0xFFFFFF80];
	_ =	sdelay $0x4  }
0x144: {  	v19 =	vsub.f32 $0.0e+00, v19;
	_ =	sdelay $0x1  }
0x145: {  	v19 =	vmul.f32 $1.442695020e+00, v19;
	_ =	sdelay $0x1  }
0x146: {  	(erf) = vpow2.f32 v19;
	_ =	sdelay $0x3  }
0x147: {  	v19 =	vld [tilespmem:s24+$0xFFFFFF90];
	_ =	sdelay $0x4  }
0x148: {  	v19 =	vsub.f32 $0.0e+00, v19;
	v20 =	vpop (erf)  }
0x149: {  	v20 =	vadd.f32 $1.000000000e+00, v20  }
0x14a: {  	v19 =	vmul.f32 $1.442695020e+00, v19  }
0x14b: {  	(erf) = vrcp.f32 v20  }
0x14c: {  	(erf) = vpow2.f32 v19;
	_ =	sdelay $0x3  }
0x14d: {  	v19 =	vld [tilespmem:s24+$0xFFFFFFA0];
	_ =	sdelay $0x3  }
0x14e: {  	v20 =	vpop (erf)  }
0x14f: {  	v19 =	vsub.f32 $0.0e+00, v19;
	v49 =	vpop (erf)  }
0x150: {  	v21 =	vadd.f32 $1.000000000e+00, v49  }
0x151: {  	v19 =	vmul.f32 $1.442695020e+00, v19  }
0x152: {  	(erf) = vrcp.f32 v21  }
0x153: {  	(erf) = vpow2.f32 v19;
	_ =	sdelay $0x3  }
0x154: {  	v19 =	vld [tilespmem:s24+$0xFFFFFFB0];
	_ =	sdelay $0x3  }
0x155: {  	v21 =	vpop (erf)  }
0x156: {  	v19 =	vsub.f32 $0.0e+00, v19;
	v50 =	vpop (erf)  }
0x157: {  	v22 =	vadd.f32 $1.000000000e+00, v50  }
0x158: {  	v19 =	vmul.f32 $1.442695020e+00, v19  }
0x159: {  	(erf) = vrcp.f32 v22  }
0x15a: {  	(erf) = vpow2.f32 v19;
	_ =	sdelay $0x7  }
0x15b: {  	v19 =	vpop (erf)  }
0x15c: {  	v51 =	vpop (erf)  }
0x15d: {  	v22 =	vadd.f32 $1.000000000e+00, v51;
	_ =	sdelay $0x1  }
0x15e: {  	v52 =	vld [tilespmem:s23+$0xFFFFFF80];
	(erf) = vrcp.f32 v22  }
0x15f: {  	v53 =	vld [tilespmem:s23+$0xFFFFFF90];
	_ =	sdelay $0x1  }
0x160: {  	v54 =	vld [tilespmem:s23+$0xFFFFFFA0];
	_ =	sdelay $0x1  }
0x161: {  	v55 =	vld [tilespmem:s23+$0xFFFFFFB0]  }
0x162: {  	v20 =	vmul.f32 v20, v52;
	v21 =	vmul.f32 v21, v53;
	_ =	sdelay $0x1  }
0x163: {  	v20 =	vadd.f32 v21, v20;
	v19 =	vmul.f32 v19, v54  }
0x164: {  	v56 =	vpop (erf)  }
0x165: {  	v19 =	vadd.f32 v19, v20;
	v20 =	vmul.f32 v56, v55;
	_ =	sdelay $0x1  }
0x166: {  	v19 =	vadd.f32 v20, v19;
	_ =	sdelay $0x1  }
0x167: {  	[tilespmem:$0x11860] =	vst v19  }
0x168: {  	v19 =	vld [tilespmem:s24+$0xFFFFFFC0];
	_ =	sdelay $0x4  }
0x169: {  	v19 =	vsub.f32 $0.0e+00, v19;
	_ =	sdelay $0x1  }
0x16a: {  	v19 =	vmul.f32 $1.442695020e+00, v19;
	_ =	sdelay $0x1  }
0x16b: {  	(erf) = vpow2.f32 v19;
	_ =	sdelay $0x3  }
0x16c: {  	v19 =	vld [tilespmem:s24+$0xFFFFFFD0];
	_ =	sdelay $0x4  }
0x16d: {  	v19 =	vsub.f32 $0.0e+00, v19;
	v20 =	vpop (erf)  }
0x16e: {  	v20 =	vadd.f32 $1.000000000e+00, v20  }
0x16f: {  	v19 =	vmul.f32 $1.442695020e+00, v19  }
0x170: {  	(erf) = vrcp.f32 v20  }
0x171: {  	(erf) = vpow2.f32 v19;
	_ =	sdelay $0x3  }
0x172: {  	v19 =	vld [tilespmem:s24+$0xFFFFFFE0];
	_ =	sdelay $0x3  }
0x173: {  	v20 =	vpop (erf)  }
0x174: {  	v19 =	vsub.f32 $0.0e+00, v19;
	v57 =	vpop (erf)  }
0x175: {  	v21 =	vadd.f32 $1.000000000e+00, v57  }
0x176: {  	v19 =	vmul.f32 $1.442695020e+00, v19  }
0x177: {  	(erf) = vrcp.f32 v21  }
0x178: {  	(erf) = vpow2.f32 v19;
	_ =	sdelay $0x3  }
0x179: {  	v19 =	vld [tilespmem:s24+$0xFFFFFFF0];
	_ =	sdelay $0x3  }
0x17a: {  	v21 =	vpop (erf)  }
0x17b: {  	v19 =	vsub.f32 $0.0e+00, v19;
	v58 =	vpop (erf)  }
0x17c: {  	v22 =	vadd.f32 $1.000000000e+00, v58  }
0x17d: {  	v19 =	vmul.f32 $1.442695020e+00, v19  }
0x17e: {  	(erf) = vrcp.f32 v22  }
0x17f: {  	(erf) = vpow2.f32 v19;
	_ =	sdelay $0x7  }
0x180: {  	v19 =	vpop (erf)  }
0x181: {  	v59 =	vpop (erf)  }
0x182: {  	v22 =	vadd.f32 $1.000000000e+00, v59;
	_ =	sdelay $0x1  }
0x183: {  	v60 =	vld [tilespmem:s23+$0xFFFFFFC0];
	(erf) = vrcp.f32 v22  }
0x184: {  	v61 =	vld [tilespmem:s23+$0xFFFFFFD0];
	_ =	sdelay $0x1  }
0x185: {  	v62 =	vld [tilespmem:s23+$0xFFFFFFE0];
	_ =	sdelay $0x1  }
0x186: {  	v63 =	vld [tilespmem:s23+$0xFFFFFFF0]  }
0x187: {  	v20 =	vmul.f32 v20, v60;
	v21 =	vmul.f32 v21, v61;
	_ =	sdelay $0x1  }
0x188: {  	v20 =	vadd.f32 v21, v20;
	v19 =	vmul.f32 v19, v62  }
0x189: {  	v24 =	vpop (erf)  }
0x18a: {  	v19 =	vadd.f32 v19, v20;
	v20 =	vmul.f32 v24, v63;
	_ =	sdelay $0x1  }
0x18b: {  	v19 =	vadd.f32 v20, v19;
	_ =	sdelay $0x1  }
0x18c: {  	[tilespmem:$0x11870] =	vst v19  }
0x18d: {  	v19 =	vld [tilespmem:s24+$0x0];
	_ =	sdelay $0x4  }
0x18e: {  	v19 =	vsub.f32 $0.0e+00, v19;
	_ =	sdelay $0x1  }
0x18f: {  	v19 =	vmul.f32 $1.442695020e+00, v19;
	_ =	sdelay $0x1  }
0x190: {  	(erf) = vpow2.f32 v19;
	_ =	sdelay $0x3  }
0x191: {  	v19 =	vld [tilespmem:s24+$0x10];
	_ =	sdelay $0x4  }
0x192: {  	v19 =	vsub.f32 $0.0e+00, v19;
	v20 =	vpop (erf)  }
0x193: {  	v20 =	vadd.f32 $1.000000000e+00, v20  }
0x194: {  	v19 =	vmul.f32 $1.442695020e+00, v19  }
0x195: {  	(erf) = vrcp.f32 v20  }
0x196: {  	(erf) = vpow2.f32 v19;
	_ =	sdelay $0x3  }
0x197: {  	v19 =	vld [tilespmem:s24+$0x20];
	_ =	sdelay $0x3  }
0x198: {  	v20 =	vpop (erf)  }
0x199: {  	v19 =	vsub.f32 $0.0e+00, v19;
	v25 =	vpop (erf)  }
0x19a: {  	v21 =	vadd.f32 $1.000000000e+00, v25  }
0x19b: {  	v19 =	vmul.f32 $1.442695020e+00, v19  }
0x19c: {  	(erf) = vrcp.f32 v21  }
0x19d: {  	(erf) = vpow2.f32 v19;
	_ =	sdelay $0x3  }
0x19e: {  	v19 =	vld [tilespmem:s24+$0x30];
	_ =	sdelay $0x3  }
0x19f: {  	v21 =	vpop (erf)  }
0x1a0: {  	v19 =	vsub.f32 $0.0e+00, v19;
	v26 =	vpop (erf)  }
0x1a1: {  	v22 =	vadd.f32 $1.000000000e+00, v26  }
0x1a2: {  	v19 =	vmul.f32 $1.442695020e+00, v19  }
0x1a3: {  	(erf) = vrcp.f32 v22  }
0x1a4: {  	(erf) = vpow2.f32 v19;
	_ =	sdelay $0x7  }
0x1a5: {  	v19 =	vpop (erf)  }
0x1a6: {  	v27 =	vpop (erf)  }
0x1a7: {  	v22 =	vadd.f32 $1.000000000e+00, v27;
	_ =	sdelay $0x1  }
0x1a8: {  	v28 =	vld [tilespmem:s23+$0x0];
	(erf) = vrcp.f32 v22  }
0x1a9: {  	v29 =	vld [tilespmem:s23+$0x10];
	_ =	sdelay $0x1  }
0x1aa: {  	v30 =	vld [tilespmem:s23+$0x20];
	_ =	sdelay $0x1  }
0x1ab: {  	v31 =	vld [tilespmem:s23+$0x30]  }
0x1ac: {  	v20 =	vmul.f32 v20, v28;
	v21 =	vmul.f32 v21, v29;
	_ =	sdelay $0x1  }
0x1ad: {  	v20 =	vadd.f32 v21, v20;
	v19 =	vmul.f32 v19, v30  }
0x1ae: {  	v32 =	vpop (erf)  }
0x1af: {  	v19 =	vadd.f32 v19, v20;
	v20 =	vmul.f32 v32, v31;
	_ =	sdelay $0x1  }
0x1b0: {  	v19 =	vadd.f32 v20, v19;
	_ =	sdelay $0x1  }
0x1b1: {  	[tilespmem:$0x11880] =	vst v19  }
0x1b2: {  	v19 =	vld [tilespmem:s24+$0x40];
	_ =	sdelay $0x4  }
0x1b3: {  	v19 =	vsub.f32 $0.0e+00, v19;
	_ =	sdelay $0x1  }
0x1b4: {  	v19 =	vmul.f32 $1.442695020e+00, v19;
	_ =	sdelay $0x1  }
0x1b5: {  	(erf) = vpow2.f32 v19;
	_ =	sdelay $0x3  }
0x1b6: {  	v19 =	vld [tilespmem:s24+$0x50];
	_ =	sdelay $0x4  }
0x1b7: {  	v19 =	vsub.f32 $0.0e+00, v19;
	v20 =	vpop (erf)  }
0x1b8: {  	v20 =	vadd.f32 $1.000000000e+00, v20  }
0x1b9: {  	v19 =	vmul.f32 $1.442695020e+00, v19  }
0x1ba: {  	(erf) = vrcp.f32 v20  }
0x1bb: {  	(erf) = vpow2.f32 v19;
	_ =	sdelay $0x3  }
0x1bc: {  	v19 =	vld [tilespmem:s24+$0x60];
	_ =	sdelay $0x3  }
0x1bd: {  	v20 =	vpop (erf)  }
0x1be: {  	v19 =	vsub.f32 $0.0e+00, v19;
	v33 =	vpop (erf)  }
0x1bf: {  	v21 =	vadd.f32 $1.000000000e+00, v33  }
0x1c0: {  	v19 =	vmul.f32 $1.442695020e+00, v19  }
0x1c1: {  	(erf) = vrcp.f32 v21  }
0x1c2: {  	(erf) = vpow2.f32 v19;
	_ =	sdelay $0x3  }
0x1c3: {  	v19 =	vld [tilespmem:s24+$0x70];
	_ =	sdelay $0x3  }
0x1c4: {  	v21 =	vpop (erf)  }
0x1c5: {  	v19 =	vsub.f32 $0.0e+00, v19;
	v34 =	vpop (erf)  }
0x1c6: {  	v22 =	vadd.f32 $1.000000000e+00, v34  }
0x1c7: {  	v19 =	vmul.f32 $1.442695020e+00, v19  }
0x1c8: {  	(erf) = vrcp.f32 v22  }
0x1c9: {  	(erf) = vpow2.f32 v19;
	_ =	sdelay $0x7  }
0x1ca: {  	v19 =	vpop (erf)  }
0x1cb: {  	v35 =	vpop (erf)  }
0x1cc: {  	v22 =	vadd.f32 $1.000000000e+00, v35;
	_ =	sdelay $0x1  }
0x1cd: {  	v36 =	vld [tilespmem:s23+$0x40];
	(erf) = vrcp.f32 v22  }
0x1ce: {  	v37 =	vld [tilespmem:s23+$0x50];
	_ =	sdelay $0x1  }
0x1cf: {  	v38 =	vld [tilespmem:s23+$0x60];
	_ =	sdelay $0x1  }
0x1d0: {  	v39 =	vld [tilespmem:s23+$0x70]  }
0x1d1: {  	v20 =	vmul.f32 v20, v36;
	v21 =	vmul.f32 v21, v37;
	_ =	sdelay $0x1  }
0x1d2: {  	v20 =	vadd.f32 v21, v20;
	v19 =	vmul.f32 v19, v38  }
0x1d3: {  	v40 =	vpop (erf)  }
0x1d4: {  	v19 =	vadd.f32 v19, v20;
	v20 =	vmul.f32 v40, v39;
	_ =	sdelay $0x1  }
0x1d5: {  	v19 =	vadd.f32 v20, v19;
	_ =	sdelay $0x1  }
0x1d6: {  	[tilespmem:$0x11890] =	vst v19  }
0x1d7: {  	v19 =	vld [tilespmem:s24+$0x80];
	_ =	sdelay $0x4  }
0x1d8: {  	v19 =	vsub.f32 $0.0e+00, v19;
	_ =	sdelay $0x1  }
0x1d9: {  	v19 =	vmul.f32 $1.442695020e+00, v19;
	_ =	sdelay $0x1  }
0x1da: {  	(erf) = vpow2.f32 v19;
	_ =	sdelay $0x3  }
0x1db: {  	v19 =	vld [tilespmem:s24+$0x90];
	_ =	sdelay $0x4  }
0x1dc: {  	v19 =	vsub.f32 $0.0e+00, v19;
	v20 =	vpop (erf)  }
0x1dd: {  	v20 =	vadd.f32 $1.000000000e+00, v20  }
0x1de: {  	v19 =	vmul.f32 $1.442695020e+00, v19  }
0x1df: {  	(erf) = vrcp.f32 v20  }
0x1e0: {  	(erf) = vpow2.f32 v19;
	_ =	sdelay $0x3  }
0x1e1: {  	v19 =	vld [tilespmem:s24+$0xA0];
	_ =	sdelay $0x3  }
0x1e2: {  	v20 =	vpop (erf)  }
0x1e3: {  	v19 =	vsub.f32 $0.0e+00, v19;
	v41 =	vpop (erf)  }
0x1e4: {  	v21 =	vadd.f32 $1.000000000e+00, v41  }
0x1e5: {  	v19 =	vmul.f32 $1.442695020e+00, v19  }
0x1e6: {  	(erf) = vrcp.f32 v21  }
0x1e7: {  	(erf) = vpow2.f32 v19;
	_ =	sdelay $0x3  }
0x1e8: {  	v19 =	vld [tilespmem:s24+$0xB0];
	_ =	sdelay $0x3  }
0x1e9: {  	v21 =	vpop (erf)  }
0x1ea: {  	v19 =	vsub.f32 $0.0e+00, v19;
	v42 =	vpop (erf)  }
0x1eb: {  	v22 =	vadd.f32 $1.000000000e+00, v42  }
0x1ec: {  	v19 =	vmul.f32 $1.442695020e+00, v19  }
0x1ed: {  	(erf) = vrcp.f32 v22  }
0x1ee: {  	(erf) = vpow2.f32 v19;
	_ =	sdelay $0x7  }
0x1ef: {  	v19 =	vpop (erf)  }
0x1f0: {  	v43 =	vpop (erf)  }
0x1f1: {  	v22 =	vadd.f32 $1.000000000e+00, v43;
	_ =	sdelay $0x1  }
0x1f2: {  	v44 =	vld [tilespmem:s23+$0x80];
	(erf) = vrcp.f32 v22  }
0x1f3: {  	v45 =	vld [tilespmem:s23+$0x90];
	_ =	sdelay $0x1  }
0x1f4: {  	v46 =	vld [tilespmem:s23+$0xA0];
	_ =	sdelay $0x1  }
0x1f5: {  	v47 =	vld [tilespmem:s23+$0xB0]  }
0x1f6: {  	v20 =	vmul.f32 v20, v44;
	v21 =	vmul.f32 v21, v45;
	_ =	sdelay $0x1  }
0x1f7: {  	v20 =	vadd.f32 v21, v20;
	v19 =	vmul.f32 v19, v46  }
0x1f8: {  	v48 =	vpop (erf)  }
0x1f9: {  	v19 =	vadd.f32 v19, v20;
	v20 =	vmul.f32 v48, v47;
	_ =	sdelay $0x1  }
0x1fa: {  	v19 =	vadd.f32 v20, v19;
	_ =	sdelay $0x1  }
0x1fb: {  	[tilespmem:$0x118A0] =	vst v19  }
0x1fc: {  	v19 =	vld [tilespmem:s24+$0xC0];
	_ =	sdelay $0x4  }
0x1fd: {  	v19 =	vsub.f32 $0.0e+00, v19;
	_ =	sdelay $0x1  }
0x1fe: {  	v19 =	vmul.f32 $1.442695020e+00, v19;
	_ =	sdelay $0x1  }
0x1ff: {  	(erf) = vpow2.f32 v19;
	_ =	sdelay $0x3  }
0x200: {  	v19 =	vld [tilespmem:s24+$0xD0];
	_ =	sdelay $0x4  }
0x201: {  	v19 =	vsub.f32 $0.0e+00, v19;
	v20 =	vpop (erf)  }
0x202: {  	v20 =	vadd.f32 $1.000000000e+00, v20  }
0x203: {  	v19 =	vmul.f32 $1.442695020e+00, v19  }
0x204: {  	(erf) = vrcp.f32 v20  }
0x205: {  	(erf) = vpow2.f32 v19;
	_ =	sdelay $0x3  }
0x206: {  	v19 =	vld [tilespmem:s24+$0xE0];
	_ =	sdelay $0x3  }
0x207: {  	v20 =	vpop (erf)  }
0x208: {  	v19 =	vsub.f32 $0.0e+00, v19;
	v49 =	vpop (erf)  }
0x209: {  	v21 =	vadd.f32 $1.000000000e+00, v49  }
0x20a: {  	v19 =	vmul.f32 $1.442695020e+00, v19  }
0x20b: {  	(erf) = vrcp.f32 v21  }
0x20c: {  	(erf) = vpow2.f32 v19;
	_ =	sdelay $0x3  }
0x20d: {  	v19 =	vld [tilespmem:s24+$0xF0];
	_ =	sdelay $0x3  }
0x20e: {  	v21 =	vpop (erf)  }
0x20f: {  	v19 =	vsub.f32 $0.0e+00, v19;
	v50 =	vpop (erf)  }
0x210: {  	v22 =	vadd.f32 $1.000000000e+00, v50  }
0x211: {  	v19 =	vmul.f32 $1.442695020e+00, v19  }
0x212: {  	(erf) = vrcp.f32 v22  }
0x213: {  	(erf) = vpow2.f32 v19;
	_ =	sdelay $0x7  }
0x214: {  	v19 =	vpop (erf)  }
0x215: {  	v51 =	vpop (erf)  }
0x216: {  	v22 =	vadd.f32 $1.000000000e+00, v51;
	_ =	sdelay $0x1  }
0x217: {  	v52 =	vld [tilespmem:s23+$0xC0];
	(erf) = vrcp.f32 v22  }
0x218: {  	v53 =	vld [tilespmem:s23+$0xD0];
	_ =	sdelay $0x1  }
0x219: {  	v54 =	vld [tilespmem:s23+$0xE0];
	_ =	sdelay $0x1  }
0x21a: {  	v55 =	vld [tilespmem:s23+$0xF0]  }
0x21b: {  	v20 =	vmul.f32 v20, v52;
	v21 =	vmul.f32 v21, v53;
	_ =	sdelay $0x1  }
0x21c: {  	v20 =	vadd.f32 v21, v20;
	v19 =	vmul.f32 v19, v54  }
0x21d: {  	v56 =	vpop (erf)  }
0x21e: {  	v19 =	vadd.f32 v19, v20;
	v20 =	vmul.f32 v56, v55;
	_ =	sdelay $0x1  }
0x21f: {  	v19 =	vadd.f32 v20, v19;
	_ =	sdelay $0x1  }
0x220: {  	[tilespmem:$0x118B0] =	vst v19  }
0x221: {  	v19 =	vld [tilespmem:s24+$0x100];
	_ =	sdelay $0x4  }
0x222: {  	v19 =	vsub.f32 $0.0e+00, v19;
	_ =	sdelay $0x1  }
0x223: {  	v19 =	vmul.f32 $1.442695020e+00, v19;
	_ =	sdelay $0x1  }
0x224: {  	(erf) = vpow2.f32 v19;
	_ =	sdelay $0x3  }
0x225: {  	v19 =	vld [tilespmem:s24+$0x110];
	_ =	sdelay $0x4  }
0x226: {  	v19 =	vsub.f32 $0.0e+00, v19;
	v20 =	vpop (erf)  }
0x227: {  	v20 =	vadd.f32 $1.000000000e+00, v20  }
0x228: {  	v19 =	vmul.f32 $1.442695020e+00, v19  }
0x229: {  	(erf) = vrcp.f32 v20  }
0x22a: {  	(erf) = vpow2.f32 v19;
	_ =	sdelay $0x3  }
0x22b: {  	v19 =	vld [tilespmem:s24+$0x120];
	_ =	sdelay $0x3  }
0x22c: {  	v20 =	vpop (erf)  }
0x22d: {  	v19 =	vsub.f32 $0.0e+00, v19;
	v57 =	vpop (erf)  }
0x22e: {  	v21 =	vadd.f32 $1.000000000e+00, v57  }
0x22f: {  	v19 =	vmul.f32 $1.442695020e+00, v19  }
0x230: {  	(erf) = vrcp.f32 v21  }
0x231: {  	(erf) = vpow2.f32 v19;
	_ =	sdelay $0x3  }
0x232: {  	v19 =	vld [tilespmem:s24+$0x130];
	_ =	sdelay $0x3  }
0x233: {  	v21 =	vpop (erf)  }
0x234: {  	v19 =	vsub.f32 $0.0e+00, v19;
	v58 =	vpop (erf)  }
0x235: {  	v22 =	vadd.f32 $1.000000000e+00, v58  }
0x236: {  	v19 =	vmul.f32 $1.442695020e+00, v19  }
0x237: {  	(erf) = vrcp.f32 v22  }
0x238: {  	(erf) = vpow2.f32 v19;
	_ =	sdelay $0x7  }
0x239: {  	v19 =	vpop (erf)  }
0x23a: {  	v59 =	vpop (erf)  }
0x23b: {  	v22 =	vadd.f32 $1.000000000e+00, v59;
	_ =	sdelay $0x1  }
0x23c: {  	v60 =	vld [tilespmem:s23+$0x100];
	(erf) = vrcp.f32 v22  }
0x23d: {  	v61 =	vld [tilespmem:s23+$0x110];
	_ =	sdelay $0x1  }
0x23e: {  	v62 =	vld [tilespmem:s23+$0x120];
	_ =	sdelay $0x1  }
0x23f: {  	v63 =	vld [tilespmem:s23+$0x130]  }
0x240: {  	v20 =	vmul.f32 v20, v60;
	v21 =	vmul.f32 v21, v61;
	_ =	sdelay $0x1  }
0x241: {  	v20 =	vadd.f32 v21, v20;
	v19 =	vmul.f32 v19, v62  }
0x242: {  	v28 =	vpop (erf)  }
0x243: {  	v19 =	vadd.f32 v19, v20;
	v20 =	vmul.f32 v28, v63;
	_ =	sdelay $0x1  }
0x244: {  	v19 =	vadd.f32 v20, v19;
	_ =	sdelay $0x1  }
0x245: {  	[tilespmem:$0x118C0] =	vst v19  }
0x246: {  	v19 =	vld [tilespmem:s24+$0x140];
	_ =	sdelay $0x4  }
0x247: {  	v19 =	vsub.f32 $0.0e+00, v19;
	_ =	sdelay $0x1  }
0x248: {  	v19 =	vmul.f32 $1.442695020e+00, v19;
	_ =	sdelay $0x1  }
0x249: {  	(erf) = vpow2.f32 v19;
	_ =	sdelay $0x3  }
0x24a: {  	v19 =	vld [tilespmem:s24+$0x150];
	_ =	sdelay $0x4  }
0x24b: {  	v19 =	vsub.f32 $0.0e+00, v19;
	v20 =	vpop (erf)  }
0x24c: {  	v20 =	vadd.f32 $1.000000000e+00, v20  }
0x24d: {  	v19 =	vmul.f32 $1.442695020e+00, v19  }
0x24e: {  	(erf) = vrcp.f32 v20  }
0x24f: {  	(erf) = vpow2.f32 v19;
	_ =	sdelay $0x3  }
0x250: {  	v19 =	vld [tilespmem:s24+$0x160];
	_ =	sdelay $0x3  }
0x251: {  	v20 =	vpop (erf)  }
0x252: {  	v19 =	vsub.f32 $0.0e+00, v19;
	v29 =	vpop (erf)  }
0x253: {  	v21 =	vadd.f32 $1.000000000e+00, v29  }
0x254: {  	v19 =	vmul.f32 $1.442695020e+00, v19  }
0x255: {  	(erf) = vrcp.f32 v21  }
0x256: {  	(erf) = vpow2.f32 v19;
	_ =	sdelay $0x3  }
0x257: {  	v19 =	vld [tilespmem:s24+$0x170];
	_ =	sdelay $0x3  }
0x258: {  	v21 =	vpop (erf)  }
0x259: {  	v19 =	vsub.f32 $0.0e+00, v19;
	v30 =	vpop (erf)  }
0x25a: {  	v22 =	vadd.f32 $1.000000000e+00, v30  }
0x25b: {  	v19 =	vmul.f32 $1.442695020e+00, v19  }
0x25c: {  	(erf) = vrcp.f32 v22  }
0x25d: {  	(erf) = vpow2.f32 v19;
	_ =	sdelay $0x7  }
0x25e: {  	v19 =	vpop (erf)  }
0x25f: {  	v31 =	vpop (erf)  }
0x260: {  	v22 =	vadd.f32 $1.000000000e+00, v31;
	_ =	sdelay $0x1  }
0x261: {  	v32 =	vld [tilespmem:s23+$0x140];
	(erf) = vrcp.f32 v22  }
0x262: {  	v33 =	vld [tilespmem:s23+$0x150];
	_ =	sdelay $0x1  }
0x263: {  	v34 =	vld [tilespmem:s23+$0x160];
	_ =	sdelay $0x1  }
0x264: {  	v35 =	vld [tilespmem:s23+$0x170]  }
0x265: {  	v20 =	vmul.f32 v20, v32;
	v21 =	vmul.f32 v21, v33;
	_ =	sdelay $0x1  }
0x266: {  	v20 =	vadd.f32 v21, v20;
	v19 =	vmul.f32 v19, v34  }
0x267: {  	v36 =	vpop (erf)  }
0x268: {  	v19 =	vadd.f32 v19, v20;
	v20 =	vmul.f32 v36, v35;
	_ =	sdelay $0x1  }
0x269: {  	v19 =	vadd.f32 v20, v19;
	_ =	sdelay $0x1  }
0x26a: {  	[tilespmem:$0x118D0] =	vst v19  }
0x26b: {  	v19 =	vld [tilespmem:s24+$0x180];
	_ =	sdelay $0x4  }
0x26c: {  	v19 =	vsub.f32 $0.0e+00, v19;
	_ =	sdelay $0x1  }
0x26d: {  	v19 =	vmul.f32 $1.442695020e+00, v19;
	_ =	sdelay $0x1  }
0x26e: {  	(erf) = vpow2.f32 v19;
	_ =	sdelay $0x3  }
0x26f: {  	v19 =	vld [tilespmem:s24+$0x190];
	_ =	sdelay $0x4  }
0x270: {  	v19 =	vsub.f32 $0.0e+00, v19;
	v20 =	vpop (erf)  }
0x271: {  	v20 =	vadd.f32 $1.000000000e+00, v20  }
0x272: {  	v19 =	vmul.f32 $1.442695020e+00, v19  }
0x273: {  	(erf) = vrcp.f32 v20  }
0x274: {  	(erf) = vpow2.f32 v19;
	_ =	sdelay $0x3  }
0x275: {  	v19 =	vld [tilespmem:s24+$0x1A0];
	_ =	sdelay $0x3  }
0x276: {  	v20 =	vpop (erf)  }
0x277: {  	v19 =	vsub.f32 $0.0e+00, v19;
	v37 =	vpop (erf)  }
0x278: {  	v21 =	vadd.f32 $1.000000000e+00, v37  }
0x279: {  	v19 =	vmul.f32 $1.442695020e+00, v19  }
0x27a: {  	(erf) = vrcp.f32 v21  }
0x27b: {  	(erf) = vpow2.f32 v19;
	_ =	sdelay $0x3  }
0x27c: {  	v19 =	vld [tilespmem:s24+$0x1B0];
	_ =	sdelay $0x3  }
0x27d: {  	v21 =	vpop (erf)  }
0x27e: {  	v19 =	vsub.f32 $0.0e+00, v19;
	v38 =	vpop (erf)  }
0x27f: {  	v22 =	vadd.f32 $1.000000000e+00, v38  }
0x280: {  	v19 =	vmul.f32 $1.442695020e+00, v19  }
0x281: {  	(erf) = vrcp.f32 v22  }
0x282: {  	(erf) = vpow2.f32 v19;
	_ =	sdelay $0x7  }
0x283: {  	v19 =	vpop (erf)  }
0x284: {  	v39 =	vpop (erf)  }
0x285: {  	v22 =	vadd.f32 $1.000000000e+00, v39;
	_ =	sdelay $0x1  }
0x286: {  	v40 =	vld [tilespmem:s23+$0x180];
	(erf) = vrcp.f32 v22  }
0x287: {  	v41 =	vld [tilespmem:s23+$0x190];
	_ =	sdelay $0x1  }
0x288: {  	v42 =	vld [tilespmem:s23+$0x1A0];
	_ =	sdelay $0x1  }
0x289: {  	v43 =	vld [tilespmem:s23+$0x1B0]  }
0x28a: {  	v20 =	vmul.f32 v20, v40;
	v21 =	vmul.f32 v21, v41;
	_ =	sdelay $0x1  }
0x28b: {  	v20 =	vadd.f32 v21, v20;
	v19 =	vmul.f32 v19, v42  }
0x28c: {  	v44 =	vpop (erf)  }
0x28d: {  	v19 =	vadd.f32 v19, v20;
	v20 =	vmul.f32 v44, v43;
	_ =	sdelay $0x1  }
0x28e: {  	v19 =	vadd.f32 v20, v19;
	_ =	sdelay $0x1  }
0x28f: {  	[tilespmem:$0x118E0] =	vst v19  }
0x290: {  	v19 =	vld [tilespmem:s24+$0x1C0];
	_ =	sdelay $0x4  }
0x291: {  	v19 =	vsub.f32 $0.0e+00, v19;
	_ =	sdelay $0x1  }
0x292: {  	v19 =	vmul.f32 $1.442695020e+00, v19;
	_ =	sdelay $0x1  }
0x293: {  	(erf) = vpow2.f32 v19;
	_ =	sdelay $0x3  }
0x294: {  	v19 =	vld [tilespmem:s24+$0x1D0];
	_ =	sdelay $0x4  }
0x295: {  	v19 =	vsub.f32 $0.0e+00, v19;
	v20 =	vpop (erf)  }
0x296: {  	v20 =	vadd.f32 $1.000000000e+00, v20  }
0x297: {  	v19 =	vmul.f32 $1.442695020e+00, v19  }
0x298: {  	(erf) = vrcp.f32 v20  }
0x299: {  	(erf) = vpow2.f32 v19;
	_ =	sdelay $0x3  }
0x29a: {  	v19 =	vld [tilespmem:s24+$0x1E0];
	_ =	sdelay $0x3  }
0x29b: {  	v20 =	vpop (erf)  }
0x29c: {  	v19 =	vsub.f32 $0.0e+00, v19;
	v45 =	vpop (erf)  }
0x29d: {  	v21 =	vadd.f32 $1.000000000e+00, v45  }
0x29e: {  	v19 =	vmul.f32 $1.442695020e+00, v19  }
0x29f: {  	(erf) = vrcp.f32 v21  }
0x2a0: {  	(erf) = vpow2.f32 v19;
	_ =	sdelay $0x3  }
0x2a1: {  	v19 =	vld [tilespmem:s24+$0x1F0];
	_ =	sdelay $0x3  }
0x2a2: {  	v21 =	vpop (erf)  }
0x2a3: {  	v19 =	vsub.f32 $0.0e+00, v19;
	v46 =	vpop (erf)  }
0x2a4: {  	v22 =	vadd.f32 $1.000000000e+00, v46  }
0x2a5: {  	v19 =	vmul.f32 $1.442695020e+00, v19  }
0x2a6: {  	(erf) = vrcp.f32 v22  }
0x2a7: {  	(erf) = vpow2.f32 v19;
	_ =	sdelay $0x7  }
0x2a8: {  	v19 =	vpop (erf)  }
0x2a9: {  	v47 =	vpop (erf)  }
0x2aa: {  	v22 =	vadd.f32 $1.000000000e+00, v47;
	_ =	sdelay $0x1  }
0x2ab: {  	v48 =	vld [tilespmem:s23+$0x1C0];
	(erf) = vrcp.f32 v22  }
0x2ac: {  	v49 =	vld [tilespmem:s23+$0x1D0];
	_ =	sdelay $0x1  }
0x2ad: {  	v50 =	vld [tilespmem:s23+$0x1E0];
	_ =	sdelay $0x1  }
0x2ae: {  	v51 =	vld [tilespmem:s23+$0x1F0]  }
0x2af: {  	v20 =	vmul.f32 v20, v48;
	v21 =	vmul.f32 v21, v49;
	_ =	sdelay $0x1  }
0x2b0: {  	v20 =	vadd.f32 v21, v20;
	v19 =	vmul.f32 v19, v50  }
0x2b1: {  	v52 =	vpop (erf)  }
0x2b2: {  	v19 =	vadd.f32 v19, v20;
	v20 =	vmul.f32 v52, v51;
	_ =	sdelay $0x1  }
0x2b3: {  	v19 =	vadd.f32 v20, v19;
	_ =	sdelay $0x1  }
0x2b4: {  	[tilespmem:$0x118F0] =	vst v19  }
0x2b5: {  	v19 =	vld.idx.msk [tilespmem:v0+s16+$0x0], $0xffff  }
0x2b6: {  	v20 =	vld.idx.msk [tilespmem:v1+s16+$0x0], $0xffff;
	_ =	sdelay $0x1  }
0x2b7: {  	v53 =	vld.idx.msk [tilespmem:v2+s16+$0x0], $0xffff;
	_ =	sdelay $0x1  }
0x2b8: {  	v54 =	vld.idx.msk [tilespmem:v3+s16+$0x0], $0xffff  }
0x2b9: {  	v19 =	vadd.f32 v20, v19  }
0x2ba: {  	v20 =	vld.idx.msk [tilespmem:v4+s16+$0x0], $0xffff  }
0x2bb: {  	v19 =	vadd.f32 v53, v19  }
0x2bc: {  	v55 =	vld.idx.msk [tilespmem:v5+s16+$0x0], $0xffff  }
0x2bd: {  	v19 =	vadd.f32 v54, v19  }
0x2be: {  	v56 =	vld.idx.msk [tilespmem:v6+s16+$0x0], $0xffff  }
0x2bf: {  	v19 =	vadd.f32 v20, v19  }
0x2c0: {  	v20 =	vld.idx.msk [tilespmem:v7+s16+$0x0], $0xffff  }
0x2c1: {  	v19 =	vadd.f32 v55, v19  }
0x2c2: {  	v57 =	vld.idx.msk [tilespmem:v8+s16+$0x0], $0xffff  }
0x2c3: {  	v19 =	vadd.f32 v56, v19  }
0x2c4: {  	v58 =	vld.idx.msk [tilespmem:v9+s16+$0x0], $0xffff  }
0x2c5: {  	v19 =	vadd.f32 v20, v19  }
0x2c6: {  	v20 =	vld.idx.msk [tilespmem:v10+s16+$0x0], $0xffff  }
0x2c7: {  	v19 =	vadd.f32 v57, v19  }
0x2c8: {  	v59 =	vld.idx.msk [tilespmem:v11+s16+$0x0], $0xffff  }
0x2c9: {  	v19 =	vadd.f32 v58, v19  }
0x2ca: {  	v60 =	vld.idx.msk [tilespmem:v12+s16+$0x0], $0xffff  }
0x2cb: {  	v19 =	vadd.f32 v20, v19;
	v20 =	vmov s26  }
0x2cc: {  	v61 =	vld.idx.msk [tilespmem:v13+s16+$0x0], $0xffff;
	v20 =	vshll.u32 v20, $0x3  }
0x2cd: {  	v19 =	vadd.f32 v59, v19;
	v20 =	vor.u32 v16, v20  }
0x2ce: {  	v62 =	vld.idx.msk [tilespmem:v14+s16+$0x0], $0xffff  }
0x2cf: {  	v19 =	vadd.f32 v60, v19  }
0x2d0: {  	v63 =	vld.idx.msk [tilespmem:v15+s16+$0x0], $0xffff  }
0x2d1: {  	v19 =	vadd.f32 v61, v19  }
0x2d2: {  	v20 =	vld.idx.msk [tilespmem:v20+s20+$0x0], $0xffff  }
0x2d3: {  	v19 =	vadd.f32 v62, v19;
	_ =	sdelay $0x1  }
0x2d4: {  	v19 =	vadd.f32 v63, v19;
	_ =	sdelay $0x1  }
0x2d5: {  	v19 =	vsub.f32 v20, v19;
	_ =	sdelay $0x1  }
0x2d6: {  	v19 =	vmul.f32 $1.442695020e+00, v19;
	_ =	sdelay $0x1  }
0x2d7: {  	(erf) = vpow2.f32 v19;
	_ =	sdelay $0x8  }
0x2d8: {  	v19 =	vpop (erf)  }
0x2d9: {  	v19 =	vadd.f32 $1.000000000e+00, v19;
	_ =	sdelay $0x1  }
0x2da: {  	(erf) = vrcp.f32 v19;
	_ =	sdelay $0x4  }
0x2db: {  	v19 =	vld [tilespmem:s21+$0x0];
	_ =	sdelay $0x3  }
0x2dc: {  	v20 =	vpop (erf)  }
0x2dd: {  	v19 =	vmul.f32 v20, v19;
	_ =	sdelay $0x1  }
0x2de: {  	v19 =	vmul.f32 v19, v17;
	_ =	sdelay $0x1  }
0x2df: {  	v19 =	vadd.f32 v19, v18;
	_ =	sdelay $0x1  }
0x2e0: {  	v19 =	vsub.f32 $0.0e+00, v19;
	_ =	sdelay $0x1  }
0x2e1: {  	v19 =	vmul.f32 $1.442695020e+00, v19;
	_ =	sdelay $0x1  }
0x2e2: {  	(erf) = vpow2.f32 v19;
	_ =	sdelay $0x8  }
0x2e3: {  	v19 =	vpop (erf)  }
0x2e4: {  	v19 =	vadd.f32 $1.000000000e+00, v19;
	_ =	sdelay $0x1  }
0x2e5: {  	(erf) = vrcp.f32 v19;
	_ =	sdelay $0x4  }
0x2e6: {  	p0 =	sne.s32 s26, $0x1F0  }
.Ltmp0:
0x2e7: {  	_ = 	snop;
	(pc) =	sbr.rel @p0 .LBB2_2-.Ltmp0, $3  }
0x2e8: {  	_ =	sdelay $0x1  }
0x2e9: {  	s23 =	sadd.s32 $0x400, s23;
	s24 =	sadd.s32 $0x400, s24;
	v19 =	vpop (erf)  }
0x2ea: {  	s26 =	sadd.s32 $0x10, s26;
	s21 =	sadd.s32 $0x10, s21;
	[tilespmem:s25+$0x0] =	vst v19;
	s25 =	sadd.s32 $0x10, s25  }
0x2eb: {  	s19 =	sadd.s32 $0x1, s19  }
0x2ec: {  	p0 =	sne.s32 s19, s12  }
.Ltmp1:
0x2ed: {  	_ = 	snop;
	(pc) =	sbr.rel @p0 .LBB2_1-.Ltmp1, $4  }
0x2ee: {  	[hbm4b:s11+s3] =	stream.linear.scatter [tilespmem:s18], [sflag:$0x2], $0x200, $0x38;
	[tilespmem:$0x11920] =	vst v63  }
0x2ef: {  	_ =	swait.ge [sflag:s13], $0x200  }
0x2f0: {  	[sflag:s13] =	ssyncset.done $0x0  }
0x2f1: {  	[sflag:s13] =	ssyncadd.s32 $0xFFFFFE00  }
0x2f2: {  	_ =	sfence.sel $0x180000  }
0x2f3: {  	[bflag:$0x0] =	sbarrier.arrive $0xFFFF  }
0x2f4: {  	_ =	strace $0x90000047  }
0x2f5: {  	s0 =	stileid.u32;
	[bflag:$0x2] =	sbarrier.arrive $0xFFFF  }
0x2f6: {  	p0 =	sne.s32 s0, $0x0;
	s0 =	rddreg [dreg:$0x7]  }
0x2f7: {  	s0 =	sadd.s32 @!p0 $0x100000, s0  }
0x2f8: {  	[sflag:s0] =	ssyncadd.tile.s32 @!p0 $0x1;
	_ =	shalt  }
.Lfunc_end2:
_tile_overlayer_lowered:
.L_overlay_start_2:
0x2f9: {  	(tag) =	ssettag $0x2  }
0x2fa: {  	s0 =	rddreg [dreg:$0x0];
	s2 =	stileid.u32  }
0x2fb: {  	s1 =	rddreg [dreg:$0x1];
	p0 =	sne.s32 s2, $0x0  }
0x2fc: {  	s3 =	rddreg [dreg:$0x2];
	[bflag:$0x3] =	sbarrier.arrive $0xFFFF;
	s2 =	simm.s32 @!p0 $0x1C02  }
0x2fd: {  	[timem:s3], [sflag:s2] =	dma.local @!p0 [hbm:s0], s1  }
0x2fe: {  	s0 =	simm.s32 @!p0 $0x2  }
0x2ff: {  	_ =	swait.ge @!p0 [sflag:s0], s1  }
0x300: {  	s1 =	ssub.s32 @!p0 $0x0, s1;
	[sflag:s0] =	ssyncset.done @!p0 $0x0  }
0x301: {  	[sflag:s0] =	ssyncadd.s32 @!p0 s1  }
0x302: {  	[bflag:$0x3] =	sbarrier.arrive $0xFFFF  }
0x303: {  	_ =	shalt  }

</sc_bundles>
